<compile_context>
chip_gen: v7x
topology: tpu7x:2x2x1
jax: 0.10.2.dev20260603
libtpu: 0.0.44.dev20260713+nightly
codegen_flags: <defaults>
</compile_context>

<pallas_src>
import numpy as np
import jax
import jax.numpy as jnp
from jax import lax
from jax.experimental import pallas as pl
from jax.experimental.pallas import tpu as pltpu
from jax.experimental.pallas import tpu_sc as plsc

N = 10000
E = 160000
EH = E // 2
MUL_IN = 16
SH_DIM = 4
MUL0_OUT = 16
MUL1_OUT = 8
D_EDGE = 16
HID = 128
W_NUMEL = MUL_IN * MUL0_OUT + MUL_IN * MUL1_OUT
OUT_DIM = MUL0_OUT + 3 * MUL1_OUT
PAD_DIM = 64
NORM = 1.0 / np.sqrt(MUL_IN)

NC = 2
NS = 16
NW = NC * NS
EPW = E // NW
N_PAD = 10240
NPT = N_PAD // NS
RND = 8
RROWS = EPW // RND



def _build_consts():
    q = np.zeros((MUL_IN, W_NUMEL), np.float32)
    for i in range(MUL_IN):
        q[i, i * MUL0_OUT:(i + 1) * MUL0_OUT] = 1.0
        base = MUL_IN * MUL0_OUT
        q[i, base + i * MUL1_OUT: base + (i + 1) * MUL1_OUT] = 1.0
    m = np.zeros((W_NUMEL, PAD_DIM), np.float32)
    for i in range(MUL_IN):
        for o in range(MUL0_OUT):
            m[i * MUL0_OUT + o, o] = NORM
        base = MUL_IN * MUL0_OUT
        for o in range(MUL1_OUT):
            for c in range(3):
                m[base + i * MUL1_OUT + o, MUL0_OUT + o * 3 + c] = NORM
    shm = np.zeros((SH_DIM, PAD_DIM), np.float32)
    shm[0, :MUL0_OUT] = 1.0
    for o in range(MUL1_OUT):
        for c in range(3):
            shm[1 + c, MUL0_OUT + o * 3 + c] = 1.0
    e40 = np.zeros((PAD_DIM,), np.float32)
    e40[OUT_DIM] = 1.0
    return jnp.asarray(q), jnp.asarray(m), jnp.asarray(shm), jnp.asarray(e40)




GC = 250
GCH = EPW // GC


def _gather_body(nodes_hbm, dst_hbm, out_hbm, idx_v, sa, sb, ra, rb,
                 gsem, wsem):
    wid = lax.axis_index("s") * NC + lax.axis_index("c")
    base = wid * EPW
    pltpu.sync_copy(dst_hbm.at[wid], idx_v)
    b16 = (sa, sb)
    b128 = (ra, rb)
    g = pltpu.async_copy(nodes_hbm.at[idx_v.at[0]], sa, gsem)
    w = None
    for c in range(GCH):
        cur16 = b16[c % 2]
        cur128 = b128[c % 2]
        g.wait()
        if w is not None:
            w.wait()
        if c + 1 < GCH:
            g = pltpu.async_copy(nodes_hbm.at[idx_v.at[c + 1]],
                                 b16[(c + 1) % 2], gsem)

        def expand(e, _, cur16=cur16, cur128=cur128):
            cur128[e, pl.ds(0, MUL_IN)] = cur16[e, :]
            return 0

        lax.fori_loop(0, GC, expand, 0)
        w = pltpu.async_copy(cur128, out_hbm.at[pl.ds(base + c * GC, GC)],
                             wsem)
    w.wait()


@jax.jit
def _sc_gather(node_attr, dst_r):
    mesh = plsc.VectorSubcoreMesh(core_axis_name="c", subcore_axis_name="s")
    return pl.kernel(
        _gather_body,
        out_type=jax.ShapeDtypeStruct((E, 128), jnp.float32),
        mesh=mesh,
        scratch_types=[
            pltpu.VMEM((GCH, GC), jnp.int32),
            pltpu.VMEM((GC, MUL_IN), jnp.float32),
            pltpu.VMEM((GC, MUL_IN), jnp.float32),
            pltpu.VMEM((GC, 128), jnp.float32),
            pltpu.VMEM((GC, 128), jnp.float32),
            pltpu.SemaphoreType.DMA,
            pltpu.SemaphoreType.DMA,
        ],
        compiler_params=pltpu.CompilerParams(use_tc_tiling_on_sc=False),
    )(node_attr, dst_r)



TC_B = 3200
GRID = EH // TC_B
def _half(ea_t, xd_t, sh_t, w1, b1, w2, b2, q, m, shm):
    f32 = jnp.float32
    ea = ea_t.T
    xd = xd_t[:, :MUL_IN]
    sh = sh_t.T
    h = jnp.maximum(jnp.dot(ea, w1, preferred_element_type=f32) + b1, 0.0)
    w = jnp.dot(h, w2, preferred_element_type=f32) + b2
    u = w * jnp.dot(xd, q, preferred_element_type=f32)
    return (jnp.dot(u, m, preferred_element_type=f32)
            * jnp.dot(sh, shm, preferred_element_type=f32))


def _dense_body(ea_a, ea_b, xd_a, xd_b, sh_a, sh_b, w1_ref, b1_ref, w2_ref,
                b2_ref, q_ref, m_ref, shm_ref, e40_ref, out_ref):
    w1, b1 = w1_ref[...], b1_ref[...]
    w2, b2 = w2_ref[...], b2_ref[...]
    q, m, shm, e40 = q_ref[...], m_ref[...], shm_ref[...], e40_ref[...]
    tpa = _half(ea_a[...], xd_a[...], sh_a[...], w1, b1, w2, b2, q, m, shm)
    tpb = _half(ea_b[...], xd_b[...], sh_b[...], w1, b1, w2, b2, q, m, shm)
    out_ref[...] = jnp.concatenate([tpa + e40, tpb + e40], axis=1)


@jax.jit
def _tc_dense(eaT, xdT, shT, W1, b1, W2, b2, Q, M, SHM, E40):
    full = lambda r, c: pl.BlockSpec((r, c), lambda i: (0, 0))
    return pl.pallas_call(
        _dense_body,
        grid=(GRID,),
        in_specs=[
            pl.BlockSpec((D_EDGE, TC_B), lambda i: (0, i)),
            pl.BlockSpec((D_EDGE, TC_B), lambda i: (0, i + GRID)),
            pl.BlockSpec((TC_B, 128), lambda i: (i, 0)),
            pl.BlockSpec((TC_B, 128), lambda i: (i + GRID, 0)),
            pl.BlockSpec((SH_DIM, TC_B), lambda i: (0, i)),
            pl.BlockSpec((SH_DIM, TC_B), lambda i: (0, i + GRID)),
            full(D_EDGE, HID),
            full(1, HID),
            full(HID, W_NUMEL),
            full(1, W_NUMEL),
            full(MUL_IN, W_NUMEL),
            full(W_NUMEL, PAD_DIM),
            full(SH_DIM, PAD_DIM),
            full(1, PAD_DIM),
        ],
        out_specs=pl.BlockSpec((TC_B, 128), lambda i: (i, 0)),
        out_shape=jax.ShapeDtypeStruct((EH, 128), jnp.float32),
        compiler_params=pltpu.CompilerParams(
            dimension_semantics=("arbitrary",)),
    )(eaT, eaT, xdT, xdT, shT, shT, W1, b1.reshape(1, HID), W2,
      b2.reshape(1, W_NUMEL), Q, M, SHM, E40.reshape(1, PAD_DIM))




def _scatter_body(tp_hbm, src_hbm, zeros_hbm, out_hbm, idx_v, rows_a, rows_b,
                  acc, lsem, ssem):
    c = lax.axis_index("c")
    s = lax.axis_index("s")
    wid = s * NC + c
    base = wid * EPW
    pltpu.sync_copy(zeros_hbm.at[pl.ds(s * NPT, NPT)],
                    acc.at[pl.ds(s * NPT, NPT)])
    pltpu.sync_copy(src_hbm.at[wid], idx_v)
    plsc.subcore_barrier()
    bufs = (rows_a, rows_b)
    load = pltpu.async_copy(tp_hbm.at[pl.ds(base, RROWS)], rows_a, lsem)
    for r in range(RND):
        cur = bufs[r % 2]
        load.wait()
        if r + 1 < RND:
            load = pltpu.async_copy(
                tp_hbm.at[pl.ds(base + (r + 1) * RROWS, RROWS)],
                bufs[(r + 1) % 2], lsem)
        pltpu.async_copy(cur, acc.at[idx_v.at[r]], ssem, add=True).wait()
    plsc.subcore_barrier()
    pltpu.sync_copy(acc.at[pl.ds(s * NPT, NPT)],
                    out_hbm.at[c, pl.ds(s * NPT, NPT)])


@jax.jit
def _sc_scatter(tp, src_r, zeros):
    mesh = plsc.VectorSubcoreMesh(core_axis_name="c", subcore_axis_name="s")
    return pl.kernel(
        _scatter_body,
        out_type=jax.ShapeDtypeStruct((NC, N_PAD, PAD_DIM), jnp.float32),
        mesh=mesh,
        scratch_types=[
            pltpu.VMEM((RND, RROWS), jnp.int32),
            pltpu.VMEM((RROWS, PAD_DIM), jnp.float32),
            pltpu.VMEM((RROWS, PAD_DIM), jnp.float32),
            pltpu.VMEM_SHARED((N_PAD, PAD_DIM), jnp.float32),
            pltpu.SemaphoreType.DMA,
            pltpu.SemaphoreType.DMA,
        ],
        compiler_params=pltpu.CompilerParams(use_tc_tiling_on_sc=False),
    )(tp, src_r, zeros)



CB_B = N_PAD // 8
CNT_A = OUT_DIM
CNT_B = PAD_DIM + OUT_DIM


def _combine_body(p_ref, out_ref):
    s = p_ref[0] + p_ref[1]
    col = lax.broadcasted_iota(jnp.int32, (CB_B, 128), 1)
    cnt_a = jnp.max(jnp.where(col == CNT_A, s, 0.0), axis=1, keepdims=True)
    cnt_b = jnp.max(jnp.where(col == CNT_B, s, 0.0), axis=1, keepdims=True)
    cnt = jnp.where(col < PAD_DIM, jnp.maximum(cnt_a, 1.0),
                    jnp.maximum(cnt_b, 1.0))
    out_ref[...] = s / cnt


@jax.jit
def _tc_combine(partial):
    return pl.pallas_call(
        _combine_body,
        grid=(N_PAD // 2 // CB_B,),
        in_specs=[pl.BlockSpec((NC, CB_B, 128), lambda i: (0, i, 0))],
        out_specs=pl.BlockSpec((CB_B, 128), lambda i: (i, 0)),
        out_shape=jax.ShapeDtypeStruct((N_PAD // 2, 128), jnp.float32),
        compiler_params=pltpu.CompilerParams(
            dimension_semantics=("arbitrary",)),
    )(partial)




def kernel(node_attr, edge_index, edge_attr, edge_sh, W1, b1, W2, b2):
    Q, M, SHM, E40 = _build_consts()
    src = edge_index[0]
    src_perm = jnp.stack([src[:EH], src[EH:]], axis=1).reshape(E)
    src_r = src_perm.reshape(NW, RND, RROWS)
    zeros = jnp.zeros((N_PAD, PAD_DIM), jnp.float32)
    xd128 = _sc_gather(node_attr, edge_index[1].reshape(NW, GCH, GC))
    tp2 = _tc_dense(edge_attr.T, xd128, edge_sh.T,
                    W1, b1, W2, b2, Q, M, SHM, E40)
    tp = tp2.reshape(E, PAD_DIM)
    partial = _sc_scatter(tp, src_r, zeros)
    out2 = _tc_combine(partial.reshape(NC, N_PAD // 2, 128))
    return out2.reshape(N_PAD, PAD_DIM)[:N, :OUT_DIM]

# --- scband reference (transcript-rebuilt; emitter-appended) ---
"""Pipeline reference for scband-tpcl-62122406969664 (READ-ONLY COPY).

The authoritative reference and input builder live on the scoring server;
editing this copy changes nothing except your own understanding.
"""

import jax, jax.numpy as jnp
import numpy as np

N = 10000
E = 160000
MUL_IN = 16      # in_irreps = 16x0e
SH_DIM = 4       # sh_irreps = 1x0e + 1x1o
MUL0_OUT = 16    # out_irreps scalar part 16x0e
MUL1_OUT = 8     # out_irreps vector part 8x1o
W_NUMEL = MUL_IN * MUL0_OUT + MUL_IN * MUL1_OUT  # 384, tensor_prod.weight_numel
D_EDGE = 16
HID = 128
OUT_DIM = MUL0_OUT + 3 * MUL1_OUT  # 40


def setup_inputs(seed: int = 0) -> dict:
    key = jax.random.key(seed)
    ks = jax.random.split(key, 8)
    node_attr = jax.random.normal(ks[0], (N, MUL_IN), dtype=jnp.float32)
    edge_index = jax.random.randint(ks[1], (2, E), 0, N, dtype=jnp.int32)
    edge_attr = jax.random.normal(ks[2], (E, D_EDGE), dtype=jnp.float32)
    edge_sh = jax.random.normal(ks[3], (E, SH_DIM), dtype=jnp.float32)
    # fc = Linear(16,128) -> ReLU -> Dropout(eval: identity) -> Linear(128, W_NUMEL)
    W1 = jax.random.normal(ks[4], (D_EDGE, HID), dtype=jnp.float32) * (1.0 / np.sqrt(D_EDGE))
    b1 = jnp.zeros((HID,), dtype=jnp.float32)
    W2 = jax.random.normal(ks[5], (HID, W_NUMEL), dtype=jnp.float32) * (1.0 / np.sqrt(HID))
    b2 = jnp.zeros((W_NUMEL,), dtype=jnp.float32)
    return {"node_attr": node_attr, "edge_index": edge_index, "edge_attr": edge_attr,
            "edge_sh": edge_sh, "W1": W1, "b1": b1, "W2": W2, "b2": b2}


def reference(node_attr, edge_index, edge_attr, edge_sh, W1, b1, W2, b2):
    edge_src = edge_index[0]
    edge_dst = edge_index[1]
    # fc(edge_attr) -> per-edge tensor-product weights (dropout in eval mode)
    h = jnp.maximum(edge_attr @ W1 + b1, 0.0)
    w = h @ W2 + b2                                   # [E, W_NUMEL]
    w0 = w[:, : MUL_IN * MUL0_OUT].reshape(E, MUL_IN, MUL0_OUT)
    w1 = w[:, MUL_IN * MUL0_OUT:].reshape(E, MUL_IN, MUL1_OUT)
    # gather destination node features
    xd = jnp.take(node_attr, edge_dst, axis=0)        # [E, MUL_IN]
    sh0 = edge_sh[:, 0]                               # l=0 component
    sh1 = edge_sh[:, 1:4]                             # l=1 components
    norm = 1.0 / np.sqrt(MUL_IN * 1)                  # path fan-in normalization
    # FullyConnectedTensorProduct paths: 0e x 0e -> 0e, 0e x 1o -> 1o
    out0 = jnp.einsum('eio,ei->eo', w0, xd) * sh0[:, None] * norm          # [E, 16]
    out1 = jnp.einsum('eio,ei,em->eom', w1, xd, sh1) * norm                # [E, 8, 3]
    tp = jnp.concatenate([out0, out1.reshape(E, MUL1_OUT * 3)], axis=-1)   # [E, 40]
    # scatter(tp, edge_src, dim=0, dim_size=N, reduce='mean')
    sums = jax.ops.segment_sum(tp, edge_src, num_segments=N)
    cnt = jax.ops.segment_sum(jnp.ones((E,), jnp.float32), edge_src, num_segments=N)
    out = sums / jnp.maximum(cnt, 1.0)[:, None]
    return out

if __name__ == "__main__":
    import jax
    _d = setup_inputs()
    print(jax.jit(kernel)(*tuple(_d.values())))

</pallas_src>

<mosaic_0001>
#map = affine_map<(d0, d1) -> (0, 0)>
#map1 = affine_map<(d0, d1) -> (0, 0, 0)>
module attributes {stable_mosaic.version = 14 : i64} {
  func.func @_gather_body(%arg0: i32, %arg1: i32, %arg2: memref<10000x16xf32, #tpu.memory_space<hbm>>, %arg3: memref<32x20x250xi32, #tpu.memory_space<hbm>>, %arg4: memref<160000x128xf32, #tpu.memory_space<hbm>>, %arg5: memref<20x250xi32, #tpu.memory_space<vmem>>, %arg6: memref<250x16xf32, #tpu.memory_space<vmem>>, %arg7: memref<250x16xf32, #tpu.memory_space<vmem>>, %arg8: memref<250x128xf32, #tpu.memory_space<vmem>>, %arg9: memref<250x128xf32, #tpu.memory_space<vmem>>, %arg10: memref<!tpu.dma_semaphore, #tpu.memory_space<semaphore_mem>>, %arg11: memref<!tpu.dma_semaphore, #tpu.memory_space<semaphore_mem>>) attributes {dimension_semantics = [#tpu.dimension_semantics<core_parallel>, #tpu.dimension_semantics<subcore_parallel>], iteration_bounds = array<i64: 2, 16>, scalar_prefetch = 0 : i64, scratch_operands = 7 : i64, tpu.core_type = #tpu.core_type<sc_vector_subcore>, window_params = [{transform_indices = #map}, {transform_indices = #map1}, {transform_indices = #map}]} {
    %mul3A = arith.constant 2 : i32
    %mul3A_0 = arith.muli %arg1, %mul3A : i32
    %add3A = arith.addi %mul3A_0, %arg0 : i32
    %mul3A_1 = arith.constant 5000 : i32
    %mul3A_2 = arith.muli %add3A, %mul3A_1 : i32
    "tpu.region"() ({
      %run_scoped3A = tpu.sem_alloc : memref<!tpu.dma_semaphore, #tpu.memory_space<semaphore_mem>>
      %dma_start3A_620 = arith.constant 0 : i32
      %dma_start3A_621 = arith.constant 0 : i32
      %dma_start3A_622 = tpu.memref_slice %arg3[%add3A, %dma_start3A_620, %dma_start3A_621] : memref<32x20x250xi32, #tpu.memory_space<hbm>> -> memref<1x20x250xi32, #tpu.memory_space<hbm>>
      %dma_start3A_623 = tpu.memref_squeeze %dma_start3A_622 : memref<1x20x250xi32, #tpu.memory_space<hbm>> -> memref<20x250xi32, #tpu.memory_space<hbm>>
      %dma_start3A_624 = arith.constant 0 : i32
      %dma_start3A_625 = arith.constant 0 : i32
      %dma_start3A_626 = tpu.memref_slice %arg3[%add3A, %dma_start3A_624, %dma_start3A_625] : memref<32x20x250xi32, #tpu.memory_space<hbm>> -> memref<1x20x250xi32, #tpu.memory_space<hbm>>
      %dma_start3A_627 = tpu.memref_squeeze %dma_start3A_626 : memref<1x20x250xi32, #tpu.memory_space<hbm>> -> memref<20x250xi32, #tpu.memory_space<hbm>>
      tpu.enqueue_dma source(%dma_start3A_627 : memref<20x250xi32, #tpu.memory_space<hbm>>) target(%arg5 : memref<20x250xi32, #tpu.memory_space<vmem>>) target_semaphore(%run_scoped3A : memref<!tpu.dma_semaphore, #tpu.memory_space<semaphore_mem>>)
      %dma_wait3A_628 = arith.constant 0 : i32
      %dma_wait3A_629 = arith.constant 0 : i32
      %dma_wait3A_630 = tpu.memref_slice %arg3[%add3A, %dma_wait3A_628, %dma_wait3A_629] : memref<32x20x250xi32, #tpu.memory_space<hbm>> -> memref<1x20x250xi32, #tpu.memory_space<hbm>>
      %dma_wait3A_631 = tpu.memref_squeeze %dma_wait3A_630 : memref<1x20x250xi32, #tpu.memory_space<hbm>> -> memref<20x250xi32, #tpu.memory_space<hbm>>
      %dma_wait3A_632 = arith.constant 0 : i32
      %dma_wait3A_633 = arith.constant 0 : i32
      %dma_wait3A_634 = tpu.memref_slice %arg3[%add3A, %dma_wait3A_632, %dma_wait3A_633] : memref<32x20x250xi32, #tpu.memory_space<hbm>> -> memref<1x20x250xi32, #tpu.memory_space<hbm>>
      %dma_wait3A_635 = tpu.memref_squeeze %dma_wait3A_634 : memref<1x20x250xi32, #tpu.memory_space<hbm>> -> memref<20x250xi32, #tpu.memory_space<hbm>>
      tpu.wait_dma2 semaphore(%run_scoped3A : memref<!tpu.dma_semaphore, #tpu.memory_space<semaphore_mem>>) src(%dma_wait3A_635 : memref<20x250xi32, #tpu.memory_space<hbm>>) dst(%arg5 : memref<20x250xi32, #tpu.memory_space<vmem>>)
      tpu.yield
    }) : () -> ()
    %dma_start3A = arith.constant 0 : i32
    %dma_start3A_3 = arith.constant 0 : i32
    %dma_start3A_4 = tpu.memref_slice %arg5[%dma_start3A, %dma_start3A_3] : memref<20x250xi32, #tpu.memory_space<vmem>> -> memref<1x250xi32, #tpu.memory_space<vmem>>
    %dma_start3A_5 = tpu.memref_squeeze %dma_start3A_4 : memref<1x250xi32, #tpu.memory_space<vmem>> -> memref<250xi32, #tpu.memory_space<vmem>>
    %dma_start3A_6 = arith.constant 0 : i32
    %dma_start3A_7 = arith.constant 0 : i32
    %dma_start3A_8 = tpu.memref_slice %arg2[%dma_start3A_6, %dma_start3A_7] : memref<10000x16xf32, #tpu.memory_space<hbm>> -> memref<10000x16xf32, #tpu.memory_space<hbm>>
    tpu.enqueue_indirect_dma source(%dma_start3A_8 : memref<10000x16xf32, #tpu.memory_space<hbm>>) target(%arg6 : memref<250x16xf32, #tpu.memory_space<vmem>>) offsets(%dma_start3A_5 : memref<250xi32, #tpu.memory_space<vmem>>) semaphore(%arg10 : memref<!tpu.dma_semaphore, #tpu.memory_space<semaphore_mem>>)
    %dma_wait3A = arith.constant 0 : i32
    %dma_wait3A_9 = arith.constant 0 : i32
    %dma_wait3A_10 = tpu.memref_slice %arg5[%dma_wait3A, %dma_wait3A_9] : memref<20x250xi32, #tpu.memory_space<vmem>> -> memref<1x250xi32, #tpu.memory_space<vmem>>
    %dma_wait3A_11 = tpu.memref_squeeze %dma_wait3A_10 : memref<1x250xi32, #tpu.memory_space<vmem>> -> memref<250xi32, #tpu.memory_space<vmem>>
    %dma_wait3A_12 = arith.constant 0 : i32
    %dma_wait3A_13 = arith.constant 0 : i32
    %dma_wait3A_14 = tpu.memref_slice %arg2[%dma_wait3A_12, %dma_wait3A_13] : memref<10000x16xf32, #tpu.memory_space<hbm>> -> memref<10000x16xf32, #tpu.memory_space<hbm>>
    tpu.wait_indirect_dma semaphore(%arg10 : memref<!tpu.dma_semaphore, #tpu.memory_space<semaphore_mem>>) src(%dma_wait3A_14 : memref<10000x16xf32, #tpu.memory_space<hbm>>) dst(%arg6 : memref<250x16xf32, #tpu.memory_space<vmem>>)
    %dma_start3A_15 = arith.constant 1 : i32
    %dma_start3A_16 = arith.constant 0 : i32
    %dma_start3A_17 = tpu.memref_slice %arg5[%dma_start3A_15, %dma_start3A_16] : memref<20x250xi32, #tpu.memory_space<vmem>> -> memref<1x250xi32, #tpu.memory_space<vmem>>
    %dma_start3A_18 = tpu.memref_squeeze %dma_start3A_17 : memref<1x250xi32, #tpu.memory_space<vmem>> -> memref<250xi32, #tpu.memory_space<vmem>>
    %dma_start3A_19 = arith.constant 0 : i32
    %dma_start3A_20 = arith.constant 0 : i32
    %dma_start3A_21 = tpu.memref_slice %arg2[%dma_start3A_19, %dma_start3A_20] : memref<10000x16xf32, #tpu.memory_space<hbm>> -> memref<10000x16xf32, #tpu.memory_space<hbm>>
    tpu.enqueue_indirect_dma source(%dma_start3A_21 : memref<10000x16xf32, #tpu.memory_space<hbm>>) target(%arg7 : memref<250x16xf32, #tpu.memory_space<vmem>>) offsets(%dma_start3A_18 : memref<250xi32, #tpu.memory_space<vmem>>) semaphore(%arg10 : memref<!tpu.dma_semaphore, #tpu.memory_space<semaphore_mem>>)
    %scan3A = arith.constant 0 : i32
    %scan3A_22 = arith.constant 0 : i32
    %scan3A_23 = arith.constant 250 : i32
    %scan3A_24 = arith.addi %scan3A_22, %scan3A_23 : i32
    %scan3A_25 = arith.constant 1 : i32
    %scan3A_26 = scf.for %scan3A_620 = %scan3A_22 to %scan3A_24 step %scan3A_25 iter_args(%scan3A_621 = %scan3A) -> (i32)  : i32 {
      %get3A = arith.index_cast %scan3A_620 : i32 to index
      %get3A_622 = arith.constant 0 : index
      %get3A_623 = tpu.vector_load %arg6[%get3A, %get3A_622] {strides = array<i32>} : memref<250x16xf32, #tpu.memory_space<vmem>>, vector<1x16xf32>,
      %get3A_624 = vector.shape_cast %get3A_623 : vector<1x16xf32> to vector<16xf32>
      %swap3A = arith.index_cast %scan3A_620 : i32 to index
      %swap3A_625 = arith.constant 0 : index
      %swap3A_626 = tpu.vector_load %arg8[%swap3A, %swap3A_625] {strides = array<i32>} : memref<250x128xf32, #tpu.memory_space<vmem>>, vector<1x16xf32>,
      %swap3A_627 = vector.shape_cast %swap3A_626 : vector<1x16xf32> to vector<16xf32>
      %swap3A_628 = vector.shape_cast %get3A_624 : vector<16xf32> to vector<1x16xf32>
      tpu.vector_store %arg8[%swap3A, %swap3A_625], %swap3A_628 {strides = array<i32>} : memref<250x128xf32, #tpu.memory_space<vmem>>, vector<1x16xf32>,
      %scan3A_629 = arith.constant 0 : i32
      scf.yield %scan3A_629 : i32
    }
    %scan3A_27 = arith.constant 250 : i32
    %add3A_28 = arith.constant 0 : i32
    %add3A_29 = arith.addi %mul3A_2, %add3A_28 : i32
    %dma_start3A_30 = arith.constant 0 : i32
    %dma_start3A_31 = tpu.memref_slice %arg4[%add3A_29, %dma_start3A_30] : memref<160000x128xf32, #tpu.memory_space<hbm>> -> memref<250x128xf32, #tpu.memory_space<hbm>>
    %dma_start3A_32 = arith.constant 0 : i32
    %dma_start3A_33 = tpu.memref_slice %arg4[%add3A_29, %dma_start3A_32] : memref<160000x128xf32, #tpu.memory_space<hbm>> -> memref<250x128xf32, #tpu.memory_space<hbm>>
    tpu.enqueue_dma source(%arg8 : memref<250x128xf32, #tpu.memory_space<vmem>>) target(%dma_start3A_33 : memref<250x128xf32, #tpu.memory_space<hbm>>) target_semaphore(%arg11 : memref<!tpu.dma_semaphore, #tpu.memory_space<semaphore_mem>>)
    %dma_wait3A_34 = arith.constant 1 : i32
    %dma_wait3A_35 = arith.constant 0 : i32
    %dma_wait3A_36 = tpu.memref_slice %arg5[%dma_wait3A_34, %dma_wait3A_35] : memref<20x250xi32, #tpu.memory_space<vmem>> -> memref<1x250xi32, #tpu.memory_space<vmem>>
    %dma_wait3A_37 = tpu.memref_squeeze %dma_wait3A_36 : memref<1x250xi32, #tpu.memory_space<vmem>> -> memref<250xi32, #tpu.memory_space<vmem>>
    %dma_wait3A_38 = arith.constant 0 : i32
    %dma_wait3A_39 = arith.constant 0 : i32
    %dma_wait3A_40 = tpu.memref_slice %arg2[%dma_wait3A_38, %dma_wait3A_39] : memref<10000x16xf32, #tpu.memory_space<hbm>> -> memref<10000x16xf32, #tpu.memory_space<hbm>>
    tpu.wait_indirect_dma semaphore(%arg10 : memref<!tpu.dma_semaphore, #tpu.memory_space<semaphore_mem>>) src(%dma_wait3A_40 : memref<10000x16xf32, #tpu.memory_space<hbm>>) dst(%arg7 : memref<250x16xf32, #tpu.memory_space<vmem>>)
    %dma_wait3A_41 = arith.constant 0 : i32
    %dma_wait3A_42 = tpu.memref_slice %arg4[%add3A_29, %dma_wait3A_41] : memref<160000x128xf32, #tpu.memory_space<hbm>> -> memref<250x128xf32, #tpu.memory_space<hbm>>
    %dma_wait3A_43 = arith.constant 0 : i32
    %dma_wait3A_44 = tpu.memref_slice %arg4[%add3A_29, %dma_wait3A_43] : memref<160000x128xf32, #tpu.memory_space<hbm>> -> memref<250x128xf32, #tpu.memory_space<hbm>>
    tpu.wait_dma2 semaphore(%arg11 : memref<!tpu.dma_semaphore, #tpu.memory_space<semaphore_mem>>) src(%arg8 : memref<250x128xf32, #tpu.memory_space<vmem>>) dst(%dma_wait3A_44 : memref<250x128xf32, #tpu.memory_space<hbm>>)
    %dma_start3A_45 = arith.constant 2 : i32
    %dma_start3A_46 = arith.constant 0 : i32
    %dma_start3A_47 = tpu.memref_slice %arg5[%dma_start3A_45, %dma_start3A_46] : memref<20x250xi32, #tpu.memory_space<vmem>> -> memref<1x250xi32, #tpu.memory_space<vmem>>
    %dma_start3A_48 = tpu.memref_squeeze %dma_start3A_47 : memref<1x250xi32, #tpu.memory_space<vmem>> -> memref<250xi32, #tpu.memory_space<vmem>>
    %dma_start3A_49 = arith.constant 0 : i32
    %dma_start3A_50 = arith.constant 0 : i32
    %dma_start3A_51 = tpu.memref_slice %arg2[%dma_start3A_49, %dma_start3A_50] : memref<10000x16xf32, #tpu.memory_space<hbm>> -> memref<10000x16xf32, #tpu.memory_space<hbm>>
    tpu.enqueue_indirect_dma source(%dma_start3A_51 : memref<10000x16xf32, #tpu.memory_space<hbm>>) target(%arg6 : memref<250x16xf32, #tpu.memory_space<vmem>>) offsets(%dma_start3A_48 : memref<250xi32, #tpu.memory_space<vmem>>) semaphore(%arg10 : memref<!tpu.dma_semaphore, #tpu.memory_space<semaphore_mem>>)
    %scan3A_52 = arith.constant 0 : i32
    %scan3A_53 = arith.constant 0 : i32
    %scan3A_54 = arith.constant 250 : i32
    %scan3A_55 = arith.addi %scan3A_53, %scan3A_54 : i32
    %scan3A_56 = arith.constant 1 : i32
    %scan3A_57 = scf.for %scan3A_620 = %scan3A_53 to %scan3A_55 step %scan3A_56 iter_args(%scan3A_621 = %scan3A_52) -> (i32)  : i32 {
      %get3A = arith.index_cast %scan3A_620 : i32 to index
      %get3A_622 = arith.constant 0 : index
      %get3A_623 = tpu.vector_load %arg7[%get3A, %get3A_622] {strides = array<i32>} : memref<250x16xf32, #tpu.memory_space<vmem>>, vector<1x16xf32>,
      %get3A_624 = vector.shape_cast %get3A_623 : vector<1x16xf32> to vector<16xf32>
      %swap3A = arith.index_cast %scan3A_620 : i32 to index
      %swap3A_625 = arith.constant 0 : index
      %swap3A_626 = tpu.vector_load %arg9[%swap3A, %swap3A_625] {strides = array<i32>} : memref<250x128xf32, #tpu.memory_space<vmem>>, vector<1x16xf32>,
      %swap3A_627 = vector.shape_cast %swap3A_626 : vector<1x16xf32> to vector<16xf32>
      %swap3A_628 = vector.shape_cast %get3A_624 : vector<16xf32> to vector<1x16xf32>
      tpu.vector_store %arg9[%swap3A, %swap3A_625], %swap3A_628 {strides = array<i32>} : memref<250x128xf32, #tpu.memory_space<vmem>>, vector<1x16xf32>,
      %scan3A_629 = arith.constant 0 : i32
      scf.yield %scan3A_629 : i32
    }
    %scan3A_58 = arith.constant 250 : i32
    %add3A_59 = arith.constant 250 : i32
    %add3A_60 = arith.addi %mul3A_2, %add3A_59 : i32
    %dma_start3A_61 = arith.constant 0 : i32
    %dma_start3A_62 = tpu.memref_slice %arg4[%add3A_60, %dma_start3A_61] : memref<160000x128xf32, #tpu.memory_space<hbm>> -> memref<250x128xf32, #tpu.memory_space<hbm>>
    %dma_start3A_63 = arith.constant 0 : i32
    %dma_start3A_64 = tpu.memref_slice %arg4[%add3A_60, %dma_start3A_63] : memref<160000x128xf32, #tpu.memory_space<hbm>> -> memref<250x128xf32, #tpu.memory_space<hbm>>
    tpu.enqueue_dma source(%arg9 : memref<250x128xf32, #tpu.memory_space<vmem>>) target(%dma_start3A_64 : memref<250x128xf32, #tpu.memory_space<hbm>>) target_semaphore(%arg11 : memref<!tpu.dma_semaphore, #tpu.memory_space<semaphore_mem>>)
    %dma_wait3A_65 = arith.constant 2 : i32
    %dma_wait3A_66 = arith.constant 0 : i32
    %dma_wait3A_67 = tpu.memref_slice %arg5[%dma_wait3A_65, %dma_wait3A_66] : memref<20x250xi32, #tpu.memory_space<vmem>> -> memref<1x250xi32, #tpu.memory_space<vmem>>
    %dma_wait3A_68 = tpu.memref_squeeze %dma_wait3A_67 : memref<1x250xi32, #tpu.memory_space<vmem>> -> memref<250xi32, #tpu.memory_space<vmem>>
    %dma_wait3A_69 = arith.constant 0 : i32
    %dma_wait3A_70 = arith.constant 0 : i32
    %dma_wait3A_71 = tpu.memref_slice %arg2[%dma_wait3A_69, %dma_wait3A_70] : memref<10000x16xf32, #tpu.memory_space<hbm>> -> memref<10000x16xf32, #tpu.memory_space<hbm>>
    tpu.wait_indirect_dma semaphore(%arg10 : memref<!tpu.dma_semaphore, #tpu.memory_space<semaphore_mem>>) src(%dma_wait3A_71 : memref<10000x16xf32, #tpu.memory_space<hbm>>) dst(%arg6 : memref<250x16xf32, #tpu.memory_space<vmem>>)
    %dma_wait3A_72 = arith.constant 0 : i32
    %dma_wait3A_73 = tpu.memref_slice %arg4[%add3A_60, %dma_wait3A_72] : memref<160000x128xf32, #tpu.memory_space<hbm>> -> memref<250x128xf32, #tpu.memory_space<hbm>>
    %dma_wait3A_74 = arith.constant 0 : i32
    %dma_wait3A_75 = tpu.memref_slice %arg4[%add3A_60, %dma_wait3A_74] : memref<160000x128xf32, #tpu.memory_space<hbm>> -> memref<250x128xf32, #tpu.memory_space<hbm>>
    tpu.wait_dma2 semaphore(%arg11 : memref<!tpu.dma_semaphore, #tpu.memory_space<semaphore_mem>>) src(%arg9 : memref<250x128xf32, #tpu.memory_space<vmem>>) dst(%dma_wait3A_75 : memref<250x128xf32, #tpu.memory_space<hbm>>)
    %dma_start3A_76 = arith.constant 3 : i32
    %dma_start3A_77 = arith.constant 0 : i32
    %dma_start3A_78 = tpu.memref_slice %arg5[%dma_start3A_76, %dma_start3A_77] : memref<20x250xi32, #tpu.memory_space<vmem>> -> memref<1x250xi32, #tpu.memory_space<vmem>>
    %dma_start3A_79 = tpu.memref_squeeze %dma_start3A_78 : memref<1x250xi32, #tpu.memory_space<vmem>> -> memref<250xi32, #tpu.memory_space<vmem>>
    %dma_start3A_80 = arith.constant 0 : i32
    %dma_start3A_81 = arith.constant 0 : i32
    %dma_start3A_82 = tpu.memref_slice %arg2[%dma_start3A_80, %dma_start3A_81] : memref<10000x16xf32, #tpu.memory_space<hbm>> -> memref<10000x16xf32, #tpu.memory_space<hbm>>
    tpu.enqueue_indirect_dma source(%dma_start3A_82 : memref<10000x16xf32, #tpu.memory_space<hbm>>) target(%arg7 : memref<250x16xf32, #tpu.memory_space<vmem>>) offsets(%dma_start3A_79 : memref<250xi32, #tpu.memory_space<vmem>>) semaphore(%arg10 : memref<!tpu.dma_semaphore, #tpu.memory_space<semaphore_mem>>)
    %scan3A_83 = arith.constant 0 : i32
    %scan3A_84 = arith.constant 0 : i32
    %scan3A_85 = arith.constant 250 : i32
    %scan3A_86 = arith.addi %scan3A_84, %scan3A_85 : i32
    %scan3A_87 = arith.constant 1 : i32
    %scan3A_88 = scf.for %scan3A_620 = %scan3A_84 to %scan3A_86 step %scan3A_87 iter_args(%scan3A_621 = %scan3A_83) -> (i32)  : i32 {
      %get3A = arith.index_cast %scan3A_620 : i32 to index
      %get3A_622 = arith.constant 0 : index
      %get3A_623 = tpu.vector_load %arg6[%get3A, %get3A_622] {strides = array<i32>} : memref<250x16xf32, #tpu.memory_space<vmem>>, vector<1x16xf32>,
      %get3A_624 = vector.shape_cast %get3A_623 : vector<1x16xf32> to vector<16xf32>
      %swap3A = arith.index_cast %scan3A_620 : i32 to index
      %swap3A_625 = arith.constant 0 : index
      %swap3A_626 = tpu.vector_load %arg8[%swap3A, %swap3A_625] {strides = array<i32>} : memref<250x128xf32, #tpu.memory_space<vmem>>, vector<1x16xf32>,
      %swap3A_627 = vector.shape_cast %swap3A_626 : vector<1x16xf32> to vector<16xf32>
      %swap3A_628 = vector.shape_cast %get3A_624 : vector<16xf32> to vector<1x16xf32>
      tpu.vector_store %arg8[%swap3A, %swap3A_625], %swap3A_628 {strides = array<i32>} : memref<250x128xf32, #tpu.memory_space<vmem>>, vector<1x16xf32>,
      %scan3A_629 = arith.constant 0 : i32
      scf.yield %scan3A_629 : i32
    }
    %scan3A_89 = arith.constant 250 : i32
    %add3A_90 = arith.constant 500 : i32
    %add3A_91 = arith.addi %mul3A_2, %add3A_90 : i32
    %dma_start3A_92 = arith.constant 0 : i32
    %dma_start3A_93 = tpu.memref_slice %arg4[%add3A_91, %dma_start3A_92] : memref<160000x128xf32, #tpu.memory_space<hbm>> -> memref<250x128xf32, #tpu.memory_space<hbm>>
    %dma_start3A_94 = arith.constant 0 : i32
    %dma_start3A_95 = tpu.memref_slice %arg4[%add3A_91, %dma_start3A_94] : memref<160000x128xf32, #tpu.memory_space<hbm>> -> memref<250x128xf32, #tpu.memory_space<hbm>>
    tpu.enqueue_dma source(%arg8 : memref<250x128xf32, #tpu.memory_space<vmem>>) target(%dma_start3A_95 : memref<250x128xf32, #tpu.memory_space<hbm>>) target_semaphore(%arg11 : memref<!tpu.dma_semaphore, #tpu.memory_space<semaphore_mem>>)
    %dma_wait3A_96 = arith.constant 3 : i32
    %dma_wait3A_97 = arith.constant 0 : i32
    %dma_wait3A_98 = tpu.memref_slice %arg5[%dma_wait3A_96, %dma_wait3A_97] : memref<20x250xi32, #tpu.memory_space<vmem>> -> memref<1x250xi32, #tpu.memory_space<vmem>>
    %dma_wait3A_99 = tpu.memref_squeeze %dma_wait3A_98 : memref<1x250xi32, #tpu.memory_space<vmem>> -> memref<250xi32, #tpu.memory_space<vmem>>
    %dma_wait3A_100 = arith.constant 0 : i32
    %dma_wait3A_101 = arith.constant 0 : i32
    %dma_wait3A_102 = tpu.memref_slice %arg2[%dma_wait3A_100, %dma_wait3A_101] : memref<10000x16xf32, #tpu.memory_space<hbm>> -> memref<10000x16xf32, #tpu.memory_space<hbm>>
    tpu.wait_indirect_dma semaphore(%arg10 : memref<!tpu.dma_semaphore, #tpu.memory_space<semaphore_mem>>) src(%dma_wait3A_102 : memref<10000x16xf32, #tpu.memory_space<hbm>>) dst(%arg7 : memref<250x16xf32, #tpu.memory_space<vmem>>)
    %dma_wait3A_103 = arith.constant 0 : i32
    %dma_wait3A_104 = tpu.memref_slice %arg4[%add3A_91, %dma_wait3A_103] : memref<160000x128xf32, #tpu.memory_space<hbm>> -> memref<250x128xf32, #tpu.memory_space<hbm>>
    %dma_wait3A_105 = arith.constant 0 : i32
    %dma_wait3A_106 = tpu.memref_slice %arg4[%add3A_91, %dma_wait3A_105] : memref<160000x128xf32, #tpu.memory_space<hbm>> -> memref<250x128xf32, #tpu.memory_space<hbm>>
    tpu.wait_dma2 semaphore(%arg11 : memref<!tpu.dma_semaphore, #tpu.memory_space<semaphore_mem>>) src(%arg8 : memref<250x128xf32, #tpu.memory_space<vmem>>) dst(%dma_wait3A_106 : memref<250x128xf32, #tpu.memory_space<hbm>>)
    %dma_start3A_107 = arith.constant 4 : i32
    %dma_start3A_108 = arith.constant 0 : i32
    %dma_start3A_109 = tpu.memref_slice %arg5[%dma_start3A_107, %dma_start3A_108] : memref<20x250xi32, #tpu.memory_space<vmem>> -> memref<1x250xi32, #tpu.memory_space<vmem>>
    %dma_start3A_110 = tpu.memref_squeeze %dma_start3A_109 : memref<1x250xi32, #tpu.memory_space<vmem>> -> memref<250xi32, #tpu.memory_space<vmem>>
    %dma_start3A_111 = arith.constant 0 : i32
    %dma_start3A_112 = arith.constant 0 : i32
    %dma_start3A_113 = tpu.memref_slice %arg2[%dma_start3A_111, %dma_start3A_112] : memref<10000x16xf32, #tpu.memory_space<hbm>> -> memref<10000x16xf32, #tpu.memory_space<hbm>>
    tpu.enqueue_indirect_dma source(%dma_start3A_113 : memref<10000x16xf32, #tpu.memory_space<hbm>>) target(%arg6 : memref<250x16xf32, #tpu.memory_space<vmem>>) offsets(%dma_start3A_110 : memref<250xi32, #tpu.memory_space<vmem>>) semaphore(%arg10 : memref<!tpu.dma_semaphore, #tpu.memory_space<semaphore_mem>>)
    %scan3A_114 = arith.constant 0 : i32
    %scan3A_115 = arith.constant 0 : i32
    %scan3A_116 = arith.constant 250 : i32
    %scan3A_117 = arith.addi %scan3A_115, %scan3A_116 : i32
    %scan3A_118 = arith.constant 1 : i32
    %scan3A_119 = scf.for %scan3A_620 = %scan3A_115 to %scan3A_117 step %scan3A_118 iter_args(%scan3A_621 = %scan3A_114) -> (i32)  : i32 {
      %get3A = arith.index_cast %scan3A_620 : i32 to index
      %get3A_622 = arith.constant 0 : index
      %get3A_623 = tpu.vector_load %arg7[%get3A, %get3A_622] {strides = array<i32>} : memref<250x16xf32, #tpu.memory_space<vmem>>, vector<1x16xf32>,
      %get3A_624 = vector.shape_cast %get3A_623 : vector<1x16xf32> to vector<16xf32>
      %swap3A = arith.index_cast %scan3A_620 : i32 to index
      %swap3A_625 = arith.constant 0 : index
      %swap3A_626 = tpu.vector_load %arg9[%swap3A, %swap3A_625] {strides = array<i32>} : memref<250x128xf32, #tpu.memory_space<vmem>>, vector<1x16xf32>,
      %swap3A_627 = vector.shape_cast %swap3A_626 : vector<1x16xf32> to vector<16xf32>
      %swap3A_628 = vector.shape_cast %get3A_624 : vector<16xf32> to vector<1x16xf32>
      tpu.vector_store %arg9[%swap3A, %swap3A_625], %swap3A_628 {strides = array<i32>} : memref<250x128xf32, #tpu.memory_space<vmem>>, vector<1x16xf32>,
      %scan3A_629 = arith.constant 0 : i32
      scf.yield %scan3A_629 : i32
    }
    %scan3A_120 = arith.constant 250 : i32
    %add3A_121 = arith.constant 750 : i32
    %add3A_122 = arith.addi %mul3A_2, %add3A_121 : i32
    %dma_start3A_123 = arith.constant 0 : i32
    %dma_start3A_124 = tpu.memref_slice %arg4[%add3A_122, %dma_start3A_123] : memref<160000x128xf32, #tpu.memory_space<hbm>> -> memref<250x128xf32, #tpu.memory_space<hbm>>
    %dma_start3A_125 = arith.constant 0 : i32
    %dma_start3A_126 = tpu.memref_slice %arg4[%add3A_122, %dma_start3A_125] : memref<160000x128xf32, #tpu.memory_space<hbm>> -> memref<250x128xf32, #tpu.memory_space<hbm>>
    tpu.enqueue_dma source(%arg9 : memref<250x128xf32, #tpu.memory_space<vmem>>) target(%dma_start3A_126 : memref<250x128xf32, #tpu.memory_space<hbm>>) target_semaphore(%arg11 : memref<!tpu.dma_semaphore, #tpu.memory_space<semaphore_mem>>)
    %dma_wait3A_127 = arith.constant 4 : i32
    %dma_wait3A_128 = arith.constant 0 : i32
    %dma_wait3A_129 = tpu.memref_slice %arg5[%dma_wait3A_127, %dma_wait3A_128] : memref<20x250xi32, #tpu.memory_space<vmem>> -> memref<1x250xi32, #tpu.memory_space<vmem>>
    %dma_wait3A_130 = tpu.memref_squeeze %dma_wait3A_129 : memref<1x250xi32, #tpu.memory_space<vmem>> -> memref<250xi32, #tpu.memory_space<vmem>>
    %dma_wait3A_131 = arith.constant 0 : i32
    %dma_wait3A_132 = arith.constant 0 : i32
    %dma_wait3A_133 = tpu.memref_slice %arg2[%dma_wait3A_131, %dma_wait3A_132] : memref<10000x16xf32, #tpu.memory_space<hbm>> -> memref<10000x16xf32, #tpu.memory_space<hbm>>
    tpu.wait_indirect_dma semaphore(%arg10 : memref<!tpu.dma_semaphore, #tpu.memory_space<semaphore_mem>>) src(%dma_wait3A_133 : memref<10000x16xf32, #tpu.memory_space<hbm>>) dst(%arg6 : memref<250x16xf32, #tpu.memory_space<vmem>>)
    %dma_wait3A_134 = arith.constant 0 : i32
    %dma_wait3A_135 = tpu.memref_slice %arg4[%add3A_122, %dma_wait3A_134] : memref<160000x128xf32, #tpu.memory_space<hbm>> -> memref<250x128xf32, #tpu.memory_space<hbm>>
    %dma_wait3A_136 = arith.constant 0 : i32
    %dma_wait3A_137 = tpu.memref_slice %arg4[%add3A_122, %dma_wait3A_136] : memref<160000x128xf32, #tpu.memory_space<hbm>> -> memref<250x128xf32, #tpu.memory_space<hbm>>
    tpu.wait_dma2 semaphore(%arg11 : memref<!tpu.dma_semaphore, #tpu.memory_space<semaphore_mem>>) src(%arg9 : memref<250x128xf32, #tpu.memory_space<vmem>>) dst(%dma_wait3A_137 : memref<250x128xf32, #tpu.memory_space<hbm>>)
    %dma_start3A_138 = arith.constant 5 : i32
    %dma_start3A_139 = arith.constant 0 : i32
    %dma_start3A_140 = tpu.memref_slice %arg5[%dma_start3A_138, %dma_start3A_139] : memref<20x250xi32, #tpu.memory_space<vmem>> -> memref<1x250xi32, #tpu.memory_space<vmem>>
    %dma_start3A_141 = tpu.memref_squeeze %dma_start3A_140 : memref<1x250xi32, #tpu.memory_space<vmem>> -> memref<250xi32, #tpu.memory_space<vmem>>
    %dma_start3A_142 = arith.constant 0 : i32
    %dma_start3A_143 = arith.constant 0 : i32
    %dma_start3A_144 = tpu.memref_slice %arg2[%dma_start3A_142, %dma_start3A_143] : memref<10000x16xf32, #tpu.memory_space<hbm>> -> memref<10000x16xf32, #tpu.memory_space<hbm>>
    tpu.enqueue_indirect_dma source(%dma_start3A_144 : memref<10000x16xf32, #tpu.memory_space<hbm>>) target(%arg7 : memref<250x16xf32, #tpu.memory_space<vmem>>) offsets(%dma_start3A_141 : memref<250xi32, #tpu.memory_space<vmem>>) semaphore(%arg10 : memref<!tpu.dma_semaphore, #tpu.memory_space<semaphore_mem>>)
    %scan3A_145 = arith.constant 0 : i32
    %scan3A_146 = arith.constant 0 : i32
    %scan3A_147 = arith.constant 250 : i32
    %scan3A_148 = arith.addi %scan3A_146, %scan3A_147 : i32
    %scan3A_149 = arith.constant 1 : i32
    %scan3A_150 = scf.for %scan3A_620 = %scan3A_146 to %scan3A_148 step %scan3A_149 iter_args(%scan3A_621 = %scan3A_145) -> (i32)  : i32 {
      %get3A = arith.index_cast %scan3A_620 : i32 to index
      %get3A_622 = arith.constant 0 : index
      %get3A_623 = tpu.vector_load %arg6[%get3A, %get3A_622] {strides = array<i32>} : memref<250x16xf32, #tpu.memory_space<vmem>>, vector<1x16xf32>,
      %get3A_624 = vector.shape_cast %get3A_623 : vector<1x16xf32> to vector<16xf32>
      %swap3A = arith.index_cast %scan3A_620 : i32 to index
      %swap3A_625 = arith.constant 0 : index
      %swap3A_626 = tpu.vector_load %arg8[%swap3A, %swap3A_625] {strides = array<i32>} : memref<250x128xf32, #tpu.memory_space<vmem>>, vector<1x16xf32>,
      %swap3A_627 = vector.shape_cast %swap3A_626 : vector<1x16xf32> to vector<16xf32>
      %swap3A_628 = vector.shape_cast %get3A_624 : vector<16xf32> to vector<1x16xf32>
      tpu.vector_store %arg8[%swap3A, %swap3A_625], %swap3A_628 {strides = array<i32>} : memref<250x128xf32, #tpu.memory_space<vmem>>, vector<1x16xf32>,
      %scan3A_629 = arith.constant 0 : i32
      scf.yield %scan3A_629 : i32
    }
    %scan3A_151 = arith.constant 250 : i32
    %add3A_152 = arith.constant 1000 : i32
    %add3A_153 = arith.addi %mul3A_2, %add3A_152 : i32
    %dma_start3A_154 = arith.constant 0 : i32
    %dma_start3A_155 = tpu.memref_slice %arg4[%add3A_153, %dma_start3A_154] : memref<160000x128xf32, #tpu.memory_space<hbm>> -> memref<250x128xf32, #tpu.memory_space<hbm>>
    %dma_start3A_156 = arith.constant 0 : i32
    %dma_start3A_157 = tpu.memref_slice %arg4[%add3A_153, %dma_start3A_156] : memref<160000x128xf32, #tpu.memory_space<hbm>> -> memref<250x128xf32, #tpu.memory_space<hbm>>
    tpu.enqueue_dma source(%arg8 : memref<250x128xf32, #tpu.memory_space<vmem>>) target(%dma_start3A_157 : memref<250x128xf32, #tpu.memory_space<hbm>>) target_semaphore(%arg11 : memref<!tpu.dma_semaphore, #tpu.memory_space<semaphore_mem>>)
    %dma_wait3A_158 = arith.constant 5 : i32
    %dma_wait3A_159 = arith.constant 0 : i32
    %dma_wait3A_160 = tpu.memref_slice %arg5[%dma_wait3A_158, %dma_wait3A_159] : memref<20x250xi32, #tpu.memory_space<vmem>> -> memref<1x250xi32, #tpu.memory_space<vmem>>
    %dma_wait3A_161 = tpu.memref_squeeze %dma_wait3A_160 : memref<1x250xi32, #tpu.memory_space<vmem>> -> memref<250xi32, #tpu.memory_space<vmem>>
    %dma_wait3A_162 = arith.constant 0 : i32
    %dma_wait3A_163 = arith.constant 0 : i32
    %dma_wait3A_164 = tpu.memref_slice %arg2[%dma_wait3A_162, %dma_wait3A_163] : memref<10000x16xf32, #tpu.memory_space<hbm>> -> memref<10000x16xf32, #tpu.memory_space<hbm>>
    tpu.wait_indirect_dma semaphore(%arg10 : memref<!tpu.dma_semaphore, #tpu.memory_space<semaphore_mem>>) src(%dma_wait3A_164 : memref<10000x16xf32, #tpu.memory_space<hbm>>) dst(%arg7 : memref<250x16xf32, #tpu.memory_space<vmem>>)
    %dma_wait3A_165 = arith.constant 0 : i32
    %dma_wait3A_166 = tpu.memref_slice %arg4[%add3A_153, %dma_wait3A_165] : memref<160000x128xf32, #tpu.memory_space<hbm>> -> memref<250x128xf32, #tpu.memory_space<hbm>>
    %dma_wait3A_167 = arith.constant 0 : i32
    %dma_wait3A_168 = tpu.memref_slice %arg4[%add3A_153, %dma_wait3A_167] : memref<160000x128xf32, #tpu.memory_space<hbm>> -> memref<250x128xf32, #tpu.memory_space<hbm>>
    tpu.wait_dma2 semaphore(%arg11 : memref<!tpu.dma_semaphore, #tpu.memory_space<semaphore_mem>>) src(%arg8 : memref<250x128xf32, #tpu.memory_space<vmem>>) dst(%dma_wait3A_168 : memref<250x128xf32, #tpu.memory_space<hbm>>)
    %dma_start3A_169 = arith.constant 6 : i32
    %dma_start3A_170 = arith.constant 0 : i32
    %dma_start3A_171 = tpu.memref_slice %arg5[%dma_start3A_169, %dma_start3A_170] : memref<20x250xi32, #tpu.memory_space<vmem>> -> memref<1x250xi32, #tpu.memory_space<vmem>>
    %dma_start3A_172 = tpu.memref_squeeze %dma_start3A_171 : memref<1x250xi32, #tpu.memory_space<vmem>> -> memref<250xi32, #tpu.memory_space<vmem>>
    %dma_start3A_173 = arith.constant 0 : i32
    %dma_start3A_174 = arith.constant 0 : i32
    %dma_start3A_175 = tpu.memref_slice %arg2[%dma_start3A_173, %dma_start3A_174] : memref<10000x16xf32, #tpu.memory_space<hbm>> -> memref<10000x16xf32, #tpu.memory_space<hbm>>
    tpu.enqueue_indirect_dma source(%dma_start3A_175 : memref<10000x16xf32, #tpu.memory_space<hbm>>) target(%arg6 : memref<250x16xf32, #tpu.memory_space<vmem>>) offsets(%dma_start3A_172 : memref<250xi32, #tpu.memory_space<vmem>>) semaphore(%arg10 : memref<!tpu.dma_semaphore, #tpu.memory_space<semaphore_mem>>)
    %scan3A_176 = arith.constant 0 : i32
    %scan3A_177 = arith.constant 0 : i32
    %scan3A_178 = arith.constant 250 : i32
    %scan3A_179 = arith.addi %scan3A_177, %scan3A_178 : i32
    %scan3A_180 = arith.constant 1 : i32
    %scan3A_181 = scf.for %scan3A_620 = %scan3A_177 to %scan3A_179 step %scan3A_180 iter_args(%scan3A_621 = %scan3A_176) -> (i32)  : i32 {
      %get3A = arith.index_cast %scan3A_620 : i32 to index
      %get3A_622 = arith.constant 0 : index
      %get3A_623 = tpu.vector_load %arg7[%get3A, %get3A_622] {strides = array<i32>} : memref<250x16xf32, #tpu.memory_space<vmem>>, vector<1x16xf32>,
      %get3A_624 = vector.shape_cast %get3A_623 : vector<1x16xf32> to vector<16xf32>
      %swap3A = arith.index_cast %scan3A_620 : i32 to index
      %swap3A_625 = arith.constant 0 : index
      %swap3A_626 = tpu.vector_load %arg9[%swap3A, %swap3A_625] {strides = array<i32>} : memref<250x128xf32, #tpu.memory_space<vmem>>, vector<1x16xf32>,
      %swap3A_627 = vector.shape_cast %swap3A_626 : vector<1x16xf32> to vector<16xf32>
      %swap3A_628 = vector.shape_cast %get3A_624 : vector<16xf32> to vector<1x16xf32>
      tpu.vector_store %arg9[%swap3A, %swap3A_625], %swap3A_628 {strides = array<i32>} : memref<250x128xf32, #tpu.memory_space<vmem>>, vector<1x16xf32>,
      %scan3A_629 = arith.constant 0 : i32
      scf.yield %scan3A_629 : i32
    }
    %scan3A_182 = arith.constant 250 : i32
    %add3A_183 = arith.constant 1250 : i32
    %add3A_184 = arith.addi %mul3A_2, %add3A_183 : i32
    %dma_start3A_185 = arith.constant 0 : i32
    %dma_start3A_186 = tpu.memref_slice %arg4[%add3A_184, %dma_start3A_185] : memref<160000x128xf32, #tpu.memory_space<hbm>> -> memref<250x128xf32, #tpu.memory_space<hbm>>
    %dma_start3A_187 = arith.constant 0 : i32
    %dma_start3A_188 = tpu.memref_slice %arg4[%add3A_184, %dma_start3A_187] : memref<160000x128xf32, #tpu.memory_space<hbm>> -> memref<250x128xf32, #tpu.memory_space<hbm>>
    tpu.enqueue_dma source(%arg9 : memref<250x128xf32, #tpu.memory_space<vmem>>) target(%dma_start3A_188 : memref<250x128xf32, #tpu.memory_space<hbm>>) target_semaphore(%arg11 : memref<!tpu.dma_semaphore, #tpu.memory_space<semaphore_mem>>)
    %dma_wait3A_189 = arith.constant 6 : i32
    %dma_wait3A_190 = arith.constant 0 : i32
    %dma_wait3A_191 = tpu.memref_slice %arg5[%dma_wait3A_189, %dma_wait3A_190] : memref<20x250xi32, #tpu.memory_space<vmem>> -> memref<1x250xi32, #tpu.memory_space<vmem>>
    %dma_wait3A_192 = tpu.memref_squeeze %dma_wait3A_191 : memref<1x250xi32, #tpu.memory_space<vmem>> -> memref<250xi32, #tpu.memory_space<vmem>>
    %dma_wait3A_193 = arith.constant 0 : i32
    %dma_wait3A_194 = arith.constant 0 : i32
    %dma_wait3A_195 = tpu.memref_slice %arg2[%dma_wait3A_193, %dma_wait3A_194] : memref<10000x16xf32, #tpu.memory_space<hbm>> -> memref<10000x16xf32, #tpu.memory_space<hbm>>
    tpu.wait_indirect_dma semaphore(%arg10 : memref<!tpu.dma_semaphore, #tpu.memory_space<semaphore_mem>>) src(%dma_wait3A_195 : memref<10000x16xf32, #tpu.memory_space<hbm>>) dst(%arg6 : memref<250x16xf32, #tpu.memory_space<vmem>>)
    %dma_wait3A_196 = arith.constant 0 : i32
    %dma_wait3A_197 = tpu.memref_slice %arg4[%add3A_184, %dma_wait3A_196] : memref<160000x128xf32, #tpu.memory_space<hbm>> -> memref<250x128xf32, #tpu.memory_space<hbm>>
    %dma_wait3A_198 = arith.constant 0 : i32
    %dma_wait3A_199 = tpu.memref_slice %arg4[%add3A_184, %dma_wait3A_198] : memref<160000x128xf32, #tpu.memory_space<hbm>> -> memref<250x128xf32, #tpu.memory_space<hbm>>
    tpu.wait_dma2 semaphore(%arg11 : memref<!tpu.dma_semaphore, #tpu.memory_space<semaphore_mem>>) src(%arg9 : memref<250x128xf32, #tpu.memory_space<vmem>>) dst(%dma_wait3A_199 : memref<250x128xf32, #tpu.memory_space<hbm>>)
    %dma_start3A_200 = arith.constant 7 : i32
    %dma_start3A_201 = arith.constant 0 : i32
    %dma_start3A_202 = tpu.memref_slice %arg5[%dma_start3A_200, %dma_start3A_201] : memref<20x250xi32, #tpu.memory_space<vmem>> -> memref<1x250xi32, #tpu.memory_space<vmem>>
    %dma_start3A_203 = tpu.memref_squeeze %dma_start3A_202 : memref<1x250xi32, #tpu.memory_space<vmem>> -> memref<250xi32, #tpu.memory_space<vmem>>
    %dma_start3A_204 = arith.constant 0 : i32
    %dma_start3A_205 = arith.constant 0 : i32
    %dma_start3A_206 = tpu.memref_slice %arg2[%dma_start3A_204, %dma_start3A_205] : memref<10000x16xf32, #tpu.memory_space<hbm>> -> memref<10000x16xf32, #tpu.memory_space<hbm>>
    tpu.enqueue_indirect_dma source(%dma_start3A_206 : memref<10000x16xf32, #tpu.memory_space<hbm>>) target(%arg7 : memref<250x16xf32, #tpu.memory_space<vmem>>) offsets(%dma_start3A_203 : memref<250xi32, #tpu.memory_space<vmem>>) semaphore(%arg10 : memref<!tpu.dma_semaphore, #tpu.memory_space<semaphore_mem>>)
    %scan3A_207 = arith.constant 0 : i32
    %scan3A_208 = arith.constant 0 : i32
    %scan3A_209 = arith.constant 250 : i32
    %scan3A_210 = arith.addi %scan3A_208, %scan3A_209 : i32
    %scan3A_211 = arith.constant 1 : i32
    %scan3A_212 = scf.for %scan3A_620 = %scan3A_208 to %scan3A_210 step %scan3A_211 iter_args(%scan3A_621 = %scan3A_207) -> (i32)  : i32 {
      %get3A = arith.index_cast %scan3A_620 : i32 to index
      %get3A_622 = arith.constant 0 : index
      %get3A_623 = tpu.vector_load %arg6[%get3A, %get3A_622] {strides = array<i32>} : memref<250x16xf32, #tpu.memory_space<vmem>>, vector<1x16xf32>,
      %get3A_624 = vector.shape_cast %get3A_623 : vector<1x16xf32> to vector<16xf32>
      %swap3A = arith.index_cast %scan3A_620 : i32 to index
      %swap3A_625 = arith.constant 0 : index
      %swap3A_626 = tpu.vector_load %arg8[%swap3A, %swap3A_625] {strides = array<i32>} : memref<250x128xf32, #tpu.memory_space<vmem>>, vector<1x16xf32>,
      %swap3A_627 = vector.shape_cast %swap3A_626 : vector<1x16xf32> to vector<16xf32>
      %swap3A_628 = vector.shape_cast %get3A_624 : vector<16xf32> to vector<1x16xf32>
      tpu.vector_store %arg8[%swap3A, %swap3A_625], %swap3A_628 {strides = array<i32>} : memref<250x128xf32, #tpu.memory_space<vmem>>, vector<1x16xf32>,
      %scan3A_629 = arith.constant 0 : i32
      scf.yield %scan3A_629 : i32
    }
    %scan3A_213 = arith.constant 250 : i32
    %add3A_214 = arith.constant 1500 : i32
    %add3A_215 = arith.addi %mul3A_2, %add3A_214 : i32
    %dma_start3A_216 = arith.constant 0 : i32
    %dma_start3A_217 = tpu.memref_slice %arg4[%add3A_215, %dma_start3A_216] : memref<160000x128xf32, #tpu.memory_space<hbm>> -> memref<250x128xf32, #tpu.memory_space<hbm>>
    %dma_start3A_218 = arith.constant 0 : i32
    %dma_start3A_219 = tpu.memref_slice %arg4[%add3A_215, %dma_start3A_218] : memref<160000x128xf32, #tpu.memory_space<hbm>> -> memref<250x128xf32, #tpu.memory_space<hbm>>
    tpu.enqueue_dma source(%arg8 : memref<250x128xf32, #tpu.memory_space<vmem>>) target(%dma_start3A_219 : memref<250x128xf32, #tpu.memory_space<hbm>>) target_semaphore(%arg11 : memref<!tpu.dma_semaphore, #tpu.memory_space<semaphore_mem>>)
    %dma_wait3A_220 = arith.constant 7 : i32
    %dma_wait3A_221 = arith.constant 0 : i32
    %dma_wait3A_222 = tpu.memref_slice %arg5[%dma_wait3A_220, %dma_wait3A_221] : memref<20x250xi32, #tpu.memory_space<vmem>> -> memref<1x250xi32, #tpu.memory_space<vmem>>
    %dma_wait3A_223 = tpu.memref_squeeze %dma_wait3A_222 : memref<1x250xi32, #tpu.memory_space<vmem>> -> memref<250xi32, #tpu.memory_space<vmem>>
    %dma_wait3A_224 = arith.constant 0 : i32
    %dma_wait3A_225 = arith.constant 0 : i32
    %dma_wait3A_226 = tpu.memref_slice %arg2[%dma_wait3A_224, %dma_wait3A_225] : memref<10000x16xf32, #tpu.memory_space<hbm>> -> memref<10000x16xf32, #tpu.memory_space<hbm>>
    tpu.wait_indirect_dma semaphore(%arg10 : memref<!tpu.dma_semaphore, #tpu.memory_space<semaphore_mem>>) src(%dma_wait3A_226 : memref<10000x16xf32, #tpu.memory_space<hbm>>) dst(%arg7 : memref<250x16xf32, #tpu.memory_space<vmem>>)
    %dma_wait3A_227 = arith.constant 0 : i32
    %dma_wait3A_228 = tpu.memref_slice %arg4[%add3A_215, %dma_wait3A_227] : memref<160000x128xf32, #tpu.memory_space<hbm>> -> memref<250x128xf32, #tpu.memory_space<hbm>>
    %dma_wait3A_229 = arith.constant 0 : i32
    %dma_wait3A_230 = tpu.memref_slice %arg4[%add3A_215, %dma_wait3A_229] : memref<160000x128xf32, #tpu.memory_space<hbm>> -> memref<250x128xf32, #tpu.memory_space<hbm>>
    tpu.wait_dma2 semaphore(%arg11 : memref<!tpu.dma_semaphore, #tpu.memory_space<semaphore_mem>>) src(%arg8 : memref<250x128xf32, #tpu.memory_space<vmem>>) dst(%dma_wait3A_230 : memref<250x128xf32, #tpu.memory_space<hbm>>)
    %dma_start3A_231 = arith.constant 8 : i32
    %dma_start3A_232 = arith.constant 0 : i32
    %dma_start3A_233 = tpu.memref_slice %arg5[%dma_start3A_231, %dma_start3A_232] : memref<20x250xi32, #tpu.memory_space<vmem>> -> memref<1x250xi32, #tpu.memory_space<vmem>>
    %dma_start3A_234 = tpu.memref_squeeze %dma_start3A_233 : memref<1x250xi32, #tpu.memory_space<vmem>> -> memref<250xi32, #tpu.memory_space<vmem>>
    %dma_start3A_235 = arith.constant 0 : i32
    %dma_start3A_236 = arith.constant 0 : i32
    %dma_start3A_237 = tpu.memref_slice %arg2[%dma_start3A_235, %dma_start3A_236] : memref<10000x16xf32, #tpu.memory_space<hbm>> -> memref<10000x16xf32, #tpu.memory_space<hbm>>
    tpu.enqueue_indirect_dma source(%dma_start3A_237 : memref<10000x16xf32, #tpu.memory_space<hbm>>) target(%arg6 : memref<250x16xf32, #tpu.memory_space<vmem>>) offsets(%dma_start3A_234 : memref<250xi32, #tpu.memory_space<vmem>>) semaphore(%arg10 : memref<!tpu.dma_semaphore, #tpu.memory_space<semaphore_mem>>)
    %scan3A_238 = arith.constant 0 : i32
    %scan3A_239 = arith.constant 0 : i32
    %scan3A_240 = arith.constant 250 : i32
    %scan3A_241 = arith.addi %scan3A_239, %scan3A_240 : i32
    %scan3A_242 = arith.constant 1 : i32
    %scan3A_243 = scf.for %scan3A_620 = %scan3A_239 to %scan3A_241 step %scan3A_242 iter_args(%scan3A_621 = %scan3A_238) -> (i32)  : i32 {
      %get3A = arith.index_cast %scan3A_620 : i32 to index
      %get3A_622 = arith.constant 0 : index
      %get3A_623 = tpu.vector_load %arg7[%get3A, %get3A_622] {strides = array<i32>} : memref<250x16xf32, #tpu.memory_space<vmem>>, vector<1x16xf32>,
      %get3A_624 = vector.shape_cast %get3A_623 : vector<1x16xf32> to vector<16xf32>
      %swap3A = arith.index_cast %scan3A_620 : i32 to index
      %swap3A_625 = arith.constant 0 : index
      %swap3A_626 = tpu.vector_load %arg9[%swap3A, %swap3A_625] {strides = array<i32>} : memref<250x128xf32, #tpu.memory_space<vmem>>, vector<1x16xf32>,
      %swap3A_627 = vector.shape_cast %swap3A_626 : vector<1x16xf32> to vector<16xf32>
      %swap3A_628 = vector.shape_cast %get3A_624 : vector<16xf32> to vector<1x16xf32>
      tpu.vector_store %arg9[%swap3A, %swap3A_625], %swap3A_628 {strides = array<i32>} : memref<250x128xf32, #tpu.memory_space<vmem>>, vector<1x16xf32>,
      %scan3A_629 = arith.constant 0 : i32
      scf.yield %scan3A_629 : i32
    }
    %scan3A_244 = arith.constant 250 : i32
    %add3A_245 = arith.constant 1750 : i32
    %add3A_246 = arith.addi %mul3A_2, %add3A_245 : i32
    %dma_start3A_247 = arith.constant 0 : i32
    %dma_start3A_248 = tpu.memref_slice %arg4[%add3A_246, %dma_start3A_247] : memref<160000x128xf32, #tpu.memory_space<hbm>> -> memref<250x128xf32, #tpu.memory_space<hbm>>
    %dma_start3A_249 = arith.constant 0 : i32
    %dma_start3A_250 = tpu.memref_slice %arg4[%add3A_246, %dma_start3A_249] : memref<160000x128xf32, #tpu.memory_space<hbm>> -> memref<250x128xf32, #tpu.memory_space<hbm>>
    tpu.enqueue_dma source(%arg9 : memref<250x128xf32, #tpu.memory_space<vmem>>) target(%dma_start3A_250 : memref<250x128xf32, #tpu.memory_space<hbm>>) target_semaphore(%arg11 : memref<!tpu.dma_semaphore, #tpu.memory_space<semaphore_mem>>)
    %dma_wait3A_251 = arith.constant 8 : i32
    %dma_wait3A_252 = arith.constant 0 : i32
    %dma_wait3A_253 = tpu.memref_slice %arg5[%dma_wait3A_251, %dma_wait3A_252] : memref<20x250xi32, #tpu.memory_space<vmem>> -> memref<1x250xi32, #tpu.memory_space<vmem>>
    %dma_wait3A_254 = tpu.memref_squeeze %dma_wait3A_253 : memref<1x250xi32, #tpu.memory_space<vmem>> -> memref<250xi32, #tpu.memory_space<vmem>>
    %dma_wait3A_255 = arith.constant 0 : i32
    %dma_wait3A_256 = arith.constant 0 : i32
    %dma_wait3A_257 = tpu.memref_slice %arg2[%dma_wait3A_255, %dma_wait3A_256] : memref<10000x16xf32, #tpu.memory_space<hbm>> -> memref<10000x16xf32, #tpu.memory_space<hbm>>
    tpu.wait_indirect_dma semaphore(%arg10 : memref<!tpu.dma_semaphore, #tpu.memory_space<semaphore_mem>>) src(%dma_wait3A_257 : memref<10000x16xf32, #tpu.memory_space<hbm>>) dst(%arg6 : memref<250x16xf32, #tpu.memory_space<vmem>>)
    %dma_wait3A_258 = arith.constant 0 : i32
    %dma_wait3A_259 = tpu.memref_slice %arg4[%add3A_246, %dma_wait3A_258] : memref<160000x128xf32, #tpu.memory_space<hbm>> -> memref<250x128xf32, #tpu.memory_space<hbm>>
    %dma_wait3A_260 = arith.constant 0 : i32
    %dma_wait3A_261 = tpu.memref_slice %arg4[%add3A_246, %dma_wait3A_260] : memref<160000x128xf32, #tpu.memory_space<hbm>> -> memref<250x128xf32, #tpu.memory_space<hbm>>
    tpu.wait_dma2 semaphore(%arg11 : memref<!tpu.dma_semaphore, #tpu.memory_space<semaphore_mem>>) src(%arg9 : memref<250x128xf32, #tpu.memory_space<vmem>>) dst(%dma_wait3A_261 : memref<250x128xf32, #tpu.memory_space<hbm>>)
    %dma_start3A_262 = arith.constant 9 : i32
    %dma_start3A_263 = arith.constant 0 : i32
    %dma_start3A_264 = tpu.memref_slice %arg5[%dma_start3A_262, %dma_start3A_263] : memref<20x250xi32, #tpu.memory_space<vmem>> -> memref<1x250xi32, #tpu.memory_space<vmem>>
    %dma_start3A_265 = tpu.memref_squeeze %dma_start3A_264 : memref<1x250xi32, #tpu.memory_space<vmem>> -> memref<250xi32, #tpu.memory_space<vmem>>
    %dma_start3A_266 = arith.constant 0 : i32
    %dma_start3A_267 = arith.constant 0 : i32
    %dma_start3A_268 = tpu.memref_slice %arg2[%dma_start3A_266, %dma_start3A_267] : memref<10000x16xf32, #tpu.memory_space<hbm>> -> memref<10000x16xf32, #tpu.memory_space<hbm>>
    tpu.enqueue_indirect_dma source(%dma_start3A_268 : memref<10000x16xf32, #tpu.memory_space<hbm>>) target(%arg7 : memref<250x16xf32, #tpu.memory_space<vmem>>) offsets(%dma_start3A_265 : memref<250xi32, #tpu.memory_space<vmem>>) semaphore(%arg10 : memref<!tpu.dma_semaphore, #tpu.memory_space<semaphore_mem>>)
    %scan3A_269 = arith.constant 0 : i32
    %scan3A_270 = arith.constant 0 : i32
    %scan3A_271 = arith.constant 250 : i32
    %scan3A_272 = arith.addi %scan3A_270, %scan3A_271 : i32
    %scan3A_273 = arith.constant 1 : i32
    %scan3A_274 = scf.for %scan3A_620 = %scan3A_270 to %scan3A_272 step %scan3A_273 iter_args(%scan3A_621 = %scan3A_269) -> (i32)  : i32 {
      %get3A = arith.index_cast %scan3A_620 : i32 to index
      %get3A_622 = arith.constant 0 : index
      %get3A_623 = tpu.vector_load %arg6[%get3A, %get3A_622] {strides = array<i32>} : memref<250x16xf32, #tpu.memory_space<vmem>>, vector<1x16xf32>,
      %get3A_624 = vector.shape_cast %get3A_623 : vector<1x16xf32> to vector<16xf32>
      %swap3A = arith.index_cast %scan3A_620 : i32 to index
      %swap3A_625 = arith.constant 0 : index
      %swap3A_626 = tpu.vector_load %arg8[%swap3A, %swap3A_625] {strides = array<i32>} : memref<250x128xf32, #tpu.memory_space<vmem>>, vector<1x16xf32>,
      %swap3A_627 = vector.shape_cast %swap3A_626 : vector<1x16xf32> to vector<16xf32>
      %swap3A_628 = vector.shape_cast %get3A_624 : vector<16xf32> to vector<1x16xf32>
      tpu.vector_store %arg8[%swap3A, %swap3A_625], %swap3A_628 {strides = array<i32>} : memref<250x128xf32, #tpu.memory_space<vmem>>, vector<1x16xf32>,
      %scan3A_629 = arith.constant 0 : i32
      scf.yield %scan3A_629 : i32
    }
    %scan3A_275 = arith.constant 250 : i32
    %add3A_276 = arith.constant 2000 : i32
    %add3A_277 = arith.addi %mul3A_2, %add3A_276 : i32
    %dma_start3A_278 = arith.constant 0 : i32
    %dma_start3A_279 = tpu.memref_slice %arg4[%add3A_277, %dma_start3A_278] : memref<160000x128xf32, #tpu.memory_space<hbm>> -> memref<250x128xf32, #tpu.memory_space<hbm>>
    %dma_start3A_280 = arith.constant 0 : i32
    %dma_start3A_281 = tpu.memref_slice %arg4[%add3A_277, %dma_start3A_280] : memref<160000x128xf32, #tpu.memory_space<hbm>> -> memref<250x128xf32, #tpu.memory_space<hbm>>
    tpu.enqueue_dma source(%arg8 : memref<250x128xf32, #tpu.memory_space<vmem>>) target(%dma_start3A_281 : memref<250x128xf32, #tpu.memory_space<hbm>>) target_semaphore(%arg11 : memref<!tpu.dma_semaphore, #tpu.memory_space<semaphore_mem>>)
    %dma_wait3A_282 = arith.constant 9 : i32
    %dma_wait3A_283 = arith.constant 0 : i32
    %dma_wait3A_284 = tpu.memref_slice %arg5[%dma_wait3A_282, %dma_wait3A_283] : memref<20x250xi32, #tpu.memory_space<vmem>> -> memref<1x250xi32, #tpu.memory_space<vmem>>
    %dma_wait3A_285 = tpu.memref_squeeze %dma_wait3A_284 : memref<1x250xi32, #tpu.memory_space<vmem>> -> memref<250xi32, #tpu.memory_space<vmem>>
    %dma_wait3A_286 = arith.constant 0 : i32
    %dma_wait3A_287 = arith.constant 0 : i32
    %dma_wait3A_288 = tpu.memref_slice %arg2[%dma_wait3A_286, %dma_wait3A_287] : memref<10000x16xf32, #tpu.memory_space<hbm>> -> memref<10000x16xf32, #tpu.memory_space<hbm>>
    tpu.wait_indirect_dma semaphore(%arg10 : memref<!tpu.dma_semaphore, #tpu.memory_space<semaphore_mem>>) src(%dma_wait3A_288 : memref<10000x16xf32, #tpu.memory_space<hbm>>) dst(%arg7 : memref<250x16xf32, #tpu.memory_space<vmem>>)
    %dma_wait3A_289 = arith.constant 0 : i32
    %dma_wait3A_290 = tpu.memref_slice %arg4[%add3A_277, %dma_wait3A_289] : memref<160000x128xf32, #tpu.memory_space<hbm>> -> memref<250x128xf32, #tpu.memory_space<hbm>>
    %dma_wait3A_291 = arith.constant 0 : i32
    %dma_wait3A_292 = tpu.memref_slice %arg4[%add3A_277, %dma_wait3A_291] : memref<160000x128xf32, #tpu.memory_space<hbm>> -> memref<250x128xf32, #tpu.memory_space<hbm>>
    tpu.wait_dma2 semaphore(%arg11 : memref<!tpu.dma_semaphore, #tpu.memory_space<semaphore_mem>>) src(%arg8 : memref<250x128xf32, #tpu.memory_space<vmem>>) dst(%dma_wait3A_292 : memref<250x128xf32, #tpu.memory_space<hbm>>)
    %dma_start3A_293 = arith.constant 10 : i32
    %dma_start3A_294 = arith.constant 0 : i32
    %dma_start3A_295 = tpu.memref_slice %arg5[%dma_start3A_293, %dma_start3A_294] : memref<20x250xi32, #tpu.memory_space<vmem>> -> memref<1x250xi32, #tpu.memory_space<vmem>>
    %dma_start3A_296 = tpu.memref_squeeze %dma_start3A_295 : memref<1x250xi32, #tpu.memory_space<vmem>> -> memref<250xi32, #tpu.memory_space<vmem>>
    %dma_start3A_297 = arith.constant 0 : i32
    %dma_start3A_298 = arith.constant 0 : i32
    %dma_start3A_299 = tpu.memref_slice %arg2[%dma_start3A_297, %dma_start3A_298] : memref<10000x16xf32, #tpu.memory_space<hbm>> -> memref<10000x16xf32, #tpu.memory_space<hbm>>
    tpu.enqueue_indirect_dma source(%dma_start3A_299 : memref<10000x16xf32, #tpu.memory_space<hbm>>) target(%arg6 : memref<250x16xf32, #tpu.memory_space<vmem>>) offsets(%dma_start3A_296 : memref<250xi32, #tpu.memory_space<vmem>>) semaphore(%arg10 : memref<!tpu.dma_semaphore, #tpu.memory_space<semaphore_mem>>)
    %scan3A_300 = arith.constant 0 : i32
    %scan3A_301 = arith.constant 0 : i32
    %scan3A_302 = arith.constant 250 : i32
    %scan3A_303 = arith.addi %scan3A_301, %scan3A_302 : i32
    %scan3A_304 = arith.constant 1 : i32
    %scan3A_305 = scf.for %scan3A_620 = %scan3A_301 to %scan3A_303 step %scan3A_304 iter_args(%scan3A_621 = %scan3A_300) -> (i32)  : i32 {
      %get3A = arith.index_cast %scan3A_620 : i32 to index
      %get3A_622 = arith.constant 0 : index
      %get3A_623 = tpu.vector_load %arg7[%get3A, %get3A_622] {strides = array<i32>} : memref<250x16xf32, #tpu.memory_space<vmem>>, vector<1x16xf32>,
      %get3A_624 = vector.shape_cast %get3A_623 : vector<1x16xf32> to vector<16xf32>
      %swap3A = arith.index_cast %scan3A_620 : i32 to index
      %swap3A_625 = arith.constant 0 : index
      %swap3A_626 = tpu.vector_load %arg9[%swap3A, %swap3A_625] {strides = array<i32>} : memref<250x128xf32, #tpu.memory_space<vmem>>, vector<1x16xf32>,
      %swap3A_627 = vector.shape_cast %swap3A_626 : vector<1x16xf32> to vector<16xf32>
      %swap3A_628 = vector.shape_cast %get3A_624 : vector<16xf32> to vector<1x16xf32>
      tpu.vector_store %arg9[%swap3A, %swap3A_625], %swap3A_628 {strides = array<i32>} : memref<250x128xf32, #tpu.memory_space<vmem>>, vector<1x16xf32>,
      %scan3A_629 = arith.constant 0 : i32
      scf.yield %scan3A_629 : i32
    }
    %scan3A_306 = arith.constant 250 : i32
    %add3A_307 = arith.constant 2250 : i32
    %add3A_308 = arith.addi %mul3A_2, %add3A_307 : i32
    %dma_start3A_309 = arith.constant 0 : i32
    %dma_start3A_310 = tpu.memref_slice %arg4[%add3A_308, %dma_start3A_309] : memref<160000x128xf32, #tpu.memory_space<hbm>> -> memref<250x128xf32, #tpu.memory_space<hbm>>
    %dma_start3A_311 = arith.constant 0 : i32
    %dma_start3A_312 = tpu.memref_slice %arg4[%add3A_308, %dma_start3A_311] : memref<160000x128xf32, #tpu.memory_space<hbm>> -> memref<250x128xf32, #tpu.memory_space<hbm>>
    tpu.enqueue_dma source(%arg9 : memref<250x128xf32, #tpu.memory_space<vmem>>) target(%dma_start3A_312 : memref<250x128xf32, #tpu.memory_space<hbm>>) target_semaphore(%arg11 : memref<!tpu.dma_semaphore, #tpu.memory_space<semaphore_mem>>)
    %dma_wait3A_313 = arith.constant 10 : i32
    %dma_wait3A_314 = arith.constant 0 : i32
    %dma_wait3A_315 = tpu.memref_slice %arg5[%dma_wait3A_313, %dma_wait3A_314] : memref<20x250xi32, #tpu.memory_space<vmem>> -> memref<1x250xi32, #tpu.memory_space<vmem>>
    %dma_wait3A_316 = tpu.memref_squeeze %dma_wait3A_315 : memref<1x250xi32, #tpu.memory_space<vmem>> -> memref<250xi32, #tpu.memory_space<vmem>>
    %dma_wait3A_317 = arith.constant 0 : i32
    %dma_wait3A_318 = arith.constant 0 : i32
    %dma_wait3A_319 = tpu.memref_slice %arg2[%dma_wait3A_317, %dma_wait3A_318] : memref<10000x16xf32, #tpu.memory_space<hbm>> -> memref<10000x16xf32, #tpu.memory_space<hbm>>
    tpu.wait_indirect_dma semaphore(%arg10 : memref<!tpu.dma_semaphore, #tpu.memory_space<semaphore_mem>>) src(%dma_wait3A_319 : memref<10000x16xf32, #tpu.memory_space<hbm>>) dst(%arg6 : memref<250x16xf32, #tpu.memory_space<vmem>>)
    %dma_wait3A_320 = arith.constant 0 : i32
    %dma_wait3A_321 = tpu.memref_slice %arg4[%add3A_308, %dma_wait3A_320] : memref<160000x128xf32, #tpu.memory_space<hbm>> -> memref<250x128xf32, #tpu.memory_space<hbm>>
    %dma_wait3A_322 = arith.constant 0 : i32
    %dma_wait3A_323 = tpu.memref_slice %arg4[%add3A_308, %dma_wait3A_322] : memref<160000x128xf32, #tpu.memory_space<hbm>> -> memref<250x128xf32, #tpu.memory_space<hbm>>
    tpu.wait_dma2 semaphore(%arg11 : memref<!tpu.dma_semaphore, #tpu.memory_space<semaphore_mem>>) src(%arg9 : memref<250x128xf32, #tpu.memory_space<vmem>>) dst(%dma_wait3A_323 : memref<250x128xf32, #tpu.memory_space<hbm>>)
    %dma_start3A_324 = arith.constant 11 : i32
    %dma_start3A_325 = arith.constant 0 : i32
    %dma_start3A_326 = tpu.memref_slice %arg5[%dma_start3A_324, %dma_start3A_325] : memref<20x250xi32, #tpu.memory_space<vmem>> -> memref<1x250xi32, #tpu.memory_space<vmem>>
    %dma_start3A_327 = tpu.memref_squeeze %dma_start3A_326 : memref<1x250xi32, #tpu.memory_space<vmem>> -> memref<250xi32, #tpu.memory_space<vmem>>
    %dma_start3A_328 = arith.constant 0 : i32
    %dma_start3A_329 = arith.constant 0 : i32
    %dma_start3A_330 = tpu.memref_slice %arg2[%dma_start3A_328, %dma_start3A_329] : memref<10000x16xf32, #tpu.memory_space<hbm>> -> memref<10000x16xf32, #tpu.memory_space<hbm>>
    tpu.enqueue_indirect_dma source(%dma_start3A_330 : memref<10000x16xf32, #tpu.memory_space<hbm>>) target(%arg7 : memref<250x16xf32, #tpu.memory_space<vmem>>) offsets(%dma_start3A_327 : memref<250xi32, #tpu.memory_space<vmem>>) semaphore(%arg10 : memref<!tpu.dma_semaphore, #tpu.memory_space<semaphore_mem>>)
    %scan3A_331 = arith.constant 0 : i32
    %scan3A_332 = arith.constant 0 : i32
    %scan3A_333 = arith.constant 250 : i32
    %scan3A_334 = arith.addi %scan3A_332, %scan3A_333 : i32
    %scan3A_335 = arith.constant 1 : i32
    %scan3A_336 = scf.for %scan3A_620 = %scan3A_332 to %scan3A_334 step %scan3A_335 iter_args(%scan3A_621 = %scan3A_331) -> (i32)  : i32 {
      %get3A = arith.index_cast %scan3A_620 : i32 to index
      %get3A_622 = arith.constant 0 : index
      %get3A_623 = tpu.vector_load %arg6[%get3A, %get3A_622] {strides = array<i32>} : memref<250x16xf32, #tpu.memory_space<vmem>>, vector<1x16xf32>,
      %get3A_624 = vector.shape_cast %get3A_623 : vector<1x16xf32> to vector<16xf32>
      %swap3A = arith.index_cast %scan3A_620 : i32 to index
      %swap3A_625 = arith.constant 0 : index
      %swap3A_626 = tpu.vector_load %arg8[%swap3A, %swap3A_625] {strides = array<i32>} : memref<250x128xf32, #tpu.memory_space<vmem>>, vector<1x16xf32>,
      %swap3A_627 = vector.shape_cast %swap3A_626 : vector<1x16xf32> to vector<16xf32>
      %swap3A_628 = vector.shape_cast %get3A_624 : vector<16xf32> to vector<1x16xf32>
      tpu.vector_store %arg8[%swap3A, %swap3A_625], %swap3A_628 {strides = array<i32>} : memref<250x128xf32, #tpu.memory_space<vmem>>, vector<1x16xf32>,
      %scan3A_629 = arith.constant 0 : i32
      scf.yield %scan3A_629 : i32
    }
    %scan3A_337 = arith.constant 250 : i32
    %add3A_338 = arith.constant 2500 : i32
    %add3A_339 = arith.addi %mul3A_2, %add3A_338 : i32
    %dma_start3A_340 = arith.constant 0 : i32
    %dma_start3A_341 = tpu.memref_slice %arg4[%add3A_339, %dma_start3A_340] : memref<160000x128xf32, #tpu.memory_space<hbm>> -> memref<250x128xf32, #tpu.memory_space<hbm>>
    %dma_start3A_342 = arith.constant 0 : i32
    %dma_start3A_343 = tpu.memref_slice %arg4[%add3A_339, %dma_start3A_342] : memref<160000x128xf32, #tpu.memory_space<hbm>> -> memref<250x128xf32, #tpu.memory_space<hbm>>
    tpu.enqueue_dma source(%arg8 : memref<250x128xf32, #tpu.memory_space<vmem>>) target(%dma_start3A_343 : memref<250x128xf32, #tpu.memory_space<hbm>>) target_semaphore(%arg11 : memref<!tpu.dma_semaphore, #tpu.memory_space<semaphore_mem>>)
    %dma_wait3A_344 = arith.constant 11 : i32
    %dma_wait3A_345 = arith.constant 0 : i32
    %dma_wait3A_346 = tpu.memref_slice %arg5[%dma_wait3A_344, %dma_wait3A_345] : memref<20x250xi32, #tpu.memory_space<vmem>> -> memref<1x250xi32, #tpu.memory_space<vmem>>
    %dma_wait3A_347 = tpu.memref_squeeze %dma_wait3A_346 : memref<1x250xi32, #tpu.memory_space<vmem>> -> memref<250xi32, #tpu.memory_space<vmem>>
    %dma_wait3A_348 = arith.constant 0 : i32
    %dma_wait3A_349 = arith.constant 0 : i32
    %dma_wait3A_350 = tpu.memref_slice %arg2[%dma_wait3A_348, %dma_wait3A_349] : memref<10000x16xf32, #tpu.memory_space<hbm>> -> memref<10000x16xf32, #tpu.memory_space<hbm>>
    tpu.wait_indirect_dma semaphore(%arg10 : memref<!tpu.dma_semaphore, #tpu.memory_space<semaphore_mem>>) src(%dma_wait3A_350 : memref<10000x16xf32, #tpu.memory_space<hbm>>) dst(%arg7 : memref<250x16xf32, #tpu.memory_space<vmem>>)
    %dma_wait3A_351 = arith.constant 0 : i32
    %dma_wait3A_352 = tpu.memref_slice %arg4[%add3A_339, %dma_wait3A_351] : memref<160000x128xf32, #tpu.memory_space<hbm>> -> memref<250x128xf32, #tpu.memory_space<hbm>>
    %dma_wait3A_353 = arith.constant 0 : i32
    %dma_wait3A_354 = tpu.memref_slice %arg4[%add3A_339, %dma_wait3A_353] : memref<160000x128xf32, #tpu.memory_space<hbm>> -> memref<250x128xf32, #tpu.memory_space<hbm>>
    tpu.wait_dma2 semaphore(%arg11 : memref<!tpu.dma_semaphore, #tpu.memory_space<semaphore_mem>>) src(%arg8 : memref<250x128xf32, #tpu.memory_space<vmem>>) dst(%dma_wait3A_354 : memref<250x128xf32, #tpu.memory_space<hbm>>)
    %dma_start3A_355 = arith.constant 12 : i32
    %dma_start3A_356 = arith.constant 0 : i32
    %dma_start3A_357 = tpu.memref_slice %arg5[%dma_start3A_355, %dma_start3A_356] : memref<20x250xi32, #tpu.memory_space<vmem>> -> memref<1x250xi32, #tpu.memory_space<vmem>>
    %dma_start3A_358 = tpu.memref_squeeze %dma_start3A_357 : memref<1x250xi32, #tpu.memory_space<vmem>> -> memref<250xi32, #tpu.memory_space<vmem>>
    %dma_start3A_359 = arith.constant 0 : i32
    %dma_start3A_360 = arith.constant 0 : i32
    %dma_start3A_361 = tpu.memref_slice %arg2[%dma_start3A_359, %dma_start3A_360] : memref<10000x16xf32, #tpu.memory_space<hbm>> -> memref<10000x16xf32, #tpu.memory_space<hbm>>
    tpu.enqueue_indirect_dma source(%dma_start3A_361 : memref<10000x16xf32, #tpu.memory_space<hbm>>) target(%arg6 : memref<250x16xf32, #tpu.memory_space<vmem>>) offsets(%dma_start3A_358 : memref<250xi32, #tpu.memory_space<vmem>>) semaphore(%arg10 : memref<!tpu.dma_semaphore, #tpu.memory_space<semaphore_mem>>)
    %scan3A_362 = arith.constant 0 : i32
    %scan3A_363 = arith.constant 0 : i32
    %scan3A_364 = arith.constant 250 : i32
    %scan3A_365 = arith.addi %scan3A_363, %scan3A_364 : i32
    %scan3A_366 = arith.constant 1 : i32
    %scan3A_367 = scf.for %scan3A_620 = %scan3A_363 to %scan3A_365 step %scan3A_366 iter_args(%scan3A_621 = %scan3A_362) -> (i32)  : i32 {
      %get3A = arith.index_cast %scan3A_620 : i32 to index
      %get3A_622 = arith.constant 0 : index
      %get3A_623 = tpu.vector_load %arg7[%get3A, %get3A_622] {strides = array<i32>} : memref<250x16xf32, #tpu.memory_space<vmem>>, vector<1x16xf32>,
      %get3A_624 = vector.shape_cast %get3A_623 : vector<1x16xf32> to vector<16xf32>
      %swap3A = arith.index_cast %scan3A_620 : i32 to index
      %swap3A_625 = arith.constant 0 : index
      %swap3A_626 = tpu.vector_load %arg9[%swap3A, %swap3A_625] {strides = array<i32>} : memref<250x128xf32, #tpu.memory_space<vmem>>, vector<1x16xf32>,
      %swap3A_627 = vector.shape_cast %swap3A_626 : vector<1x16xf32> to vector<16xf32>
      %swap3A_628 = vector.shape_cast %get3A_624 : vector<16xf32> to vector<1x16xf32>
      tpu.vector_store %arg9[%swap3A, %swap3A_625], %swap3A_628 {strides = array<i32>} : memref<250x128xf32, #tpu.memory_space<vmem>>, vector<1x16xf32>,
      %scan3A_629 = arith.constant 0 : i32
      scf.yield %scan3A_629 : i32
    }
    %scan3A_368 = arith.constant 250 : i32
    %add3A_369 = arith.constant 2750 : i32
    %add3A_370 = arith.addi %mul3A_2, %add3A_369 : i32
    %dma_start3A_371 = arith.constant 0 : i32
    %dma_start3A_372 = tpu.memref_slice %arg4[%add3A_370, %dma_start3A_371] : memref<160000x128xf32, #tpu.memory_space<hbm>> -> memref<250x128xf32, #tpu.memory_space<hbm>>
    %dma_start3A_373 = arith.constant 0 : i32
    %dma_start3A_374 = tpu.memref_slice %arg4[%add3A_370, %dma_start3A_373] : memref<160000x128xf32, #tpu.memory_space<hbm>> -> memref<250x128xf32, #tpu.memory_space<hbm>>
    tpu.enqueue_dma source(%arg9 : memref<250x128xf32, #tpu.memory_space<vmem>>) target(%dma_start3A_374 : memref<250x128xf32, #tpu.memory_space<hbm>>) target_semaphore(%arg11 : memref<!tpu.dma_semaphore, #tpu.memory_space<semaphore_mem>>)
    %dma_wait3A_375 = arith.constant 12 : i32
    %dma_wait3A_376 = arith.constant 0 : i32
    %dma_wait3A_377 = tpu.memref_slice %arg5[%dma_wait3A_375, %dma_wait3A_376] : memref<20x250xi32, #tpu.memory_space<vmem>> -> memref<1x250xi32, #tpu.memory_space<vmem>>
    %dma_wait3A_378 = tpu.memref_squeeze %dma_wait3A_377 : memref<1x250xi32, #tpu.memory_space<vmem>> -> memref<250xi32, #tpu.memory_space<vmem>>
    %dma_wait3A_379 = arith.constant 0 : i32
    %dma_wait3A_380 = arith.constant 0 : i32
    %dma_wait3A_381 = tpu.memref_slice %arg2[%dma_wait3A_379, %dma_wait3A_380] : memref<10000x16xf32, #tpu.memory_space<hbm>> -> memref<10000x16xf32, #tpu.memory_space<hbm>>
    tpu.wait_indirect_dma semaphore(%arg10 : memref<!tpu.dma_semaphore, #tpu.memory_space<semaphore_mem>>) src(%dma_wait3A_381 : memref<10000x16xf32, #tpu.memory_space<hbm>>) dst(%arg6 : memref<250x16xf32, #tpu.memory_space<vmem>>)
    %dma_wait3A_382 = arith.constant 0 : i32
    %dma_wait3A_383 = tpu.memref_slice %arg4[%add3A_370, %dma_wait3A_382] : memref<160000x128xf32, #tpu.memory_space<hbm>> -> memref<250x128xf32, #tpu.memory_space<hbm>>
    %dma_wait3A_384 = arith.constant 0 : i32
    %dma_wait3A_385 = tpu.memref_slice %arg4[%add3A_370, %dma_wait3A_384] : memref<160000x128xf32, #tpu.memory_space<hbm>> -> memref<250x128xf32, #tpu.memory_space<hbm>>
    tpu.wait_dma2 semaphore(%arg11 : memref<!tpu.dma_semaphore, #tpu.memory_space<semaphore_mem>>) src(%arg9 : memref<250x128xf32, #tpu.memory_space<vmem>>) dst(%dma_wait3A_385 : memref<250x128xf32, #tpu.memory_space<hbm>>)
    %dma_start3A_386 = arith.constant 13 : i32
    %dma_start3A_387 = arith.constant 0 : i32
    %dma_start3A_388 = tpu.memref_slice %arg5[%dma_start3A_386, %dma_start3A_387] : memref<20x250xi32, #tpu.memory_space<vmem>> -> memref<1x250xi32, #tpu.memory_space<vmem>>
    %dma_start3A_389 = tpu.memref_squeeze %dma_start3A_388 : memref<1x250xi32, #tpu.memory_space<vmem>> -> memref<250xi32, #tpu.memory_space<vmem>>
    %dma_start3A_390 = arith.constant 0 : i32
    %dma_start3A_391 = arith.constant 0 : i32
    %dma_start3A_392 = tpu.memref_slice %arg2[%dma_start3A_390, %dma_start3A_391] : memref<10000x16xf32, #tpu.memory_space<hbm>> -> memref<10000x16xf32, #tpu.memory_space<hbm>>
    tpu.enqueue_indirect_dma source(%dma_start3A_392 : memref<10000x16xf32, #tpu.memory_space<hbm>>) target(%arg7 : memref<250x16xf32, #tpu.memory_space<vmem>>) offsets(%dma_start3A_389 : memref<250xi32, #tpu.memory_space<vmem>>) semaphore(%arg10 : memref<!tpu.dma_semaphore, #tpu.memory_space<semaphore_mem>>)
    %scan3A_393 = arith.constant 0 : i32
    %scan3A_394 = arith.constant 0 : i32
    %scan3A_395 = arith.constant 250 : i32
    %scan3A_396 = arith.addi %scan3A_394, %scan3A_395 : i32
    %scan3A_397 = arith.constant 1 : i32
    %scan3A_398 = scf.for %scan3A_620 = %scan3A_394 to %scan3A_396 step %scan3A_397 iter_args(%scan3A_621 = %scan3A_393) -> (i32)  : i32 {
      %get3A = arith.index_cast %scan3A_620 : i32 to index
      %get3A_622 = arith.constant 0 : index
      %get3A_623 = tpu.vector_load %arg6[%get3A, %get3A_622] {strides = array<i32>} : memref<250x16xf32, #tpu.memory_space<vmem>>, vector<1x16xf32>,
      %get3A_624 = vector.shape_cast %get3A_623 : vector<1x16xf32> to vector<16xf32>
      %swap3A = arith.index_cast %scan3A_620 : i32 to index
      %swap3A_625 = arith.constant 0 : index
      %swap3A_626 = tpu.vector_load %arg8[%swap3A, %swap3A_625] {strides = array<i32>} : memref<250x128xf32, #tpu.memory_space<vmem>>, vector<1x16xf32>,
      %swap3A_627 = vector.shape_cast %swap3A_626 : vector<1x16xf32> to vector<16xf32>
      %swap3A_628 = vector.shape_cast %get3A_624 : vector<16xf32> to vector<1x16xf32>
      tpu.vector_store %arg8[%swap3A, %swap3A_625], %swap3A_628 {strides = array<i32>} : memref<250x128xf32, #tpu.memory_space<vmem>>, vector<1x16xf32>,
      %scan3A_629 = arith.constant 0 : i32
      scf.yield %scan3A_629 : i32
    }
    %scan3A_399 = arith.constant 250 : i32
    %add3A_400 = arith.constant 3000 : i32
    %add3A_401 = arith.addi %mul3A_2, %add3A_400 : i32
    %dma_start3A_402 = arith.constant 0 : i32
    %dma_start3A_403 = tpu.memref_slice %arg4[%add3A_401, %dma_start3A_402] : memref<160000x128xf32, #tpu.memory_space<hbm>> -> memref<250x128xf32, #tpu.memory_space<hbm>>
    %dma_start3A_404 = arith.constant 0 : i32
    %dma_start3A_405 = tpu.memref_slice %arg4[%add3A_401, %dma_start3A_404] : memref<160000x128xf32, #tpu.memory_space<hbm>> -> memref<250x128xf32, #tpu.memory_space<hbm>>
    tpu.enqueue_dma source(%arg8 : memref<250x128xf32, #tpu.memory_space<vmem>>) target(%dma_start3A_405 : memref<250x128xf32, #tpu.memory_space<hbm>>) target_semaphore(%arg11 : memref<!tpu.dma_semaphore, #tpu.memory_space<semaphore_mem>>)
    %dma_wait3A_406 = arith.constant 13 : i32
    %dma_wait3A_407 = arith.constant 0 : i32
    %dma_wait3A_408 = tpu.memref_slice %arg5[%dma_wait3A_406, %dma_wait3A_407] : memref<20x250xi32, #tpu.memory_space<vmem>> -> memref<1x250xi32, #tpu.memory_space<vmem>>
    %dma_wait3A_409 = tpu.memref_squeeze %dma_wait3A_408 : memref<1x250xi32, #tpu.memory_space<vmem>> -> memref<250xi32, #tpu.memory_space<vmem>>
    %dma_wait3A_410 = arith.constant 0 : i32
    %dma_wait3A_411 = arith.constant 0 : i32
    %dma_wait3A_412 = tpu.memref_slice %arg2[%dma_wait3A_410, %dma_wait3A_411] : memref<10000x16xf32, #tpu.memory_space<hbm>> -> memref<10000x16xf32, #tpu.memory_space<hbm>>
    tpu.wait_indirect_dma semaphore(%arg10 : memref<!tpu.dma_semaphore, #tpu.memory_space<semaphore_mem>>) src(%dma_wait3A_412 : memref<10000x16xf32, #tpu.memory_space<hbm>>) dst(%arg7 : memref<250x16xf32, #tpu.memory_space<vmem>>)
    %dma_wait3A_413 = arith.constant 0 : i32
    %dma_wait3A_414 = tpu.memref_slice %arg4[%add3A_401, %dma_wait3A_413] : memref<160000x128xf32, #tpu.memory_space<hbm>> -> memref<250x128xf32, #tpu.memory_space<hbm>>
    %dma_wait3A_415 = arith.constant 0 : i32
    %dma_wait3A_416 = tpu.memref_slice %arg4[%add3A_401, %dma_wait3A_415] : memref<160000x128xf32, #tpu.memory_space<hbm>> -> memref<250x128xf32, #tpu.memory_space<hbm>>
    tpu.wait_dma2 semaphore(%arg11 : memref<!tpu.dma_semaphore, #tpu.memory_space<semaphore_mem>>) src(%arg8 : memref<250x128xf32, #tpu.memory_space<vmem>>) dst(%dma_wait3A_416 : memref<250x128xf32, #tpu.memory_space<hbm>>)
    %dma_start3A_417 = arith.constant 14 : i32
    %dma_start3A_418 = arith.constant 0 : i32
    %dma_start3A_419 = tpu.memref_slice %arg5[%dma_start3A_417, %dma_start3A_418] : memref<20x250xi32, #tpu.memory_space<vmem>> -> memref<1x250xi32, #tpu.memory_space<vmem>>
    %dma_start3A_420 = tpu.memref_squeeze %dma_start3A_419 : memref<1x250xi32, #tpu.memory_space<vmem>> -> memref<250xi32, #tpu.memory_space<vmem>>
    %dma_start3A_421 = arith.constant 0 : i32
    %dma_start3A_422 = arith.constant 0 : i32
    %dma_start3A_423 = tpu.memref_slice %arg2[%dma_start3A_421, %dma_start3A_422] : memref<10000x16xf32, #tpu.memory_space<hbm>> -> memref<10000x16xf32, #tpu.memory_space<hbm>>
    tpu.enqueue_indirect_dma source(%dma_start3A_423 : memref<10000x16xf32, #tpu.memory_space<hbm>>) target(%arg6 : memref<250x16xf32, #tpu.memory_space<vmem>>) offsets(%dma_start3A_420 : memref<250xi32, #tpu.memory_space<vmem>>) semaphore(%arg10 : memref<!tpu.dma_semaphore, #tpu.memory_space<semaphore_mem>>)
    %scan3A_424 = arith.constant 0 : i32
    %scan3A_425 = arith.constant 0 : i32
    %scan3A_426 = arith.constant 250 : i32
    %scan3A_427 = arith.addi %scan3A_425, %scan3A_426 : i32
    %scan3A_428 = arith.constant 1 : i32
    %scan3A_429 = scf.for %scan3A_620 = %scan3A_425 to %scan3A_427 step %scan3A_428 iter_args(%scan3A_621 = %scan3A_424) -> (i32)  : i32 {
      %get3A = arith.index_cast %scan3A_620 : i32 to index
      %get3A_622 = arith.constant 0 : index
      %get3A_623 = tpu.vector_load %arg7[%get3A, %get3A_622] {strides = array<i32>} : memref<250x16xf32, #tpu.memory_space<vmem>>, vector<1x16xf32>,
      %get3A_624 = vector.shape_cast %get3A_623 : vector<1x16xf32> to vector<16xf32>
      %swap3A = arith.index_cast %scan3A_620 : i32 to index
      %swap3A_625 = arith.constant 0 : index
      %swap3A_626 = tpu.vector_load %arg9[%swap3A, %swap3A_625] {strides = array<i32>} : memref<250x128xf32, #tpu.memory_space<vmem>>, vector<1x16xf32>,
      %swap3A_627 = vector.shape_cast %swap3A_626 : vector<1x16xf32> to vector<16xf32>
      %swap3A_628 = vector.shape_cast %get3A_624 : vector<16xf32> to vector<1x16xf32>
      tpu.vector_store %arg9[%swap3A, %swap3A_625], %swap3A_628 {strides = array<i32>} : memref<250x128xf32, #tpu.memory_space<vmem>>, vector<1x16xf32>,
      %scan3A_629 = arith.constant 0 : i32
      scf.yield %scan3A_629 : i32
    }
    %scan3A_430 = arith.constant 250 : i32
    %add3A_431 = arith.constant 3250 : i32
    %add3A_432 = arith.addi %mul3A_2, %add3A_431 : i32
    %dma_start3A_433 = arith.constant 0 : i32
    %dma_start3A_434 = tpu.memref_slice %arg4[%add3A_432, %dma_start3A_433] : memref<160000x128xf32, #tpu.memory_space<hbm>> -> memref<250x128xf32, #tpu.memory_space<hbm>>
    %dma_start3A_435 = arith.constant 0 : i32
    %dma_start3A_436 = tpu.memref_slice %arg4[%add3A_432, %dma_start3A_435] : memref<160000x128xf32, #tpu.memory_space<hbm>> -> memref<250x128xf32, #tpu.memory_space<hbm>>
    tpu.enqueue_dma source(%arg9 : memref<250x128xf32, #tpu.memory_space<vmem>>) target(%dma_start3A_436 : memref<250x128xf32, #tpu.memory_space<hbm>>) target_semaphore(%arg11 : memref<!tpu.dma_semaphore, #tpu.memory_space<semaphore_mem>>)
    %dma_wait3A_437 = arith.constant 14 : i32
    %dma_wait3A_438 = arith.constant 0 : i32
    %dma_wait3A_439 = tpu.memref_slice %arg5[%dma_wait3A_437, %dma_wait3A_438] : memref<20x250xi32, #tpu.memory_space<vmem>> -> memref<1x250xi32, #tpu.memory_space<vmem>>
    %dma_wait3A_440 = tpu.memref_squeeze %dma_wait3A_439 : memref<1x250xi32, #tpu.memory_space<vmem>> -> memref<250xi32, #tpu.memory_space<vmem>>
    %dma_wait3A_441 = arith.constant 0 : i32
    %dma_wait3A_442 = arith.constant 0 : i32
    %dma_wait3A_443 = tpu.memref_slice %arg2[%dma_wait3A_441, %dma_wait3A_442] : memref<10000x16xf32, #tpu.memory_space<hbm>> -> memref<10000x16xf32, #tpu.memory_space<hbm>>
    tpu.wait_indirect_dma semaphore(%arg10 : memref<!tpu.dma_semaphore, #tpu.memory_space<semaphore_mem>>) src(%dma_wait3A_443 : memref<10000x16xf32, #tpu.memory_space<hbm>>) dst(%arg6 : memref<250x16xf32, #tpu.memory_space<vmem>>)
    %dma_wait3A_444 = arith.constant 0 : i32
    %dma_wait3A_445 = tpu.memref_slice %arg4[%add3A_432, %dma_wait3A_444] : memref<160000x128xf32, #tpu.memory_space<hbm>> -> memref<250x128xf32, #tpu.memory_space<hbm>>
    %dma_wait3A_446 = arith.constant 0 : i32
    %dma_wait3A_447 = tpu.memref_slice %arg4[%add3A_432, %dma_wait3A_446] : memref<160000x128xf32, #tpu.memory_space<hbm>> -> memref<250x128xf32, #tpu.memory_space<hbm>>
    tpu.wait_dma2 semaphore(%arg11 : memref<!tpu.dma_semaphore, #tpu.memory_space<semaphore_mem>>) src(%arg9 : memref<250x128xf32, #tpu.memory_space<vmem>>) dst(%dma_wait3A_447 : memref<250x128xf32, #tpu.memory_space<hbm>>)
    %dma_start3A_448 = arith.constant 15 : i32
    %dma_start3A_449 = arith.constant 0 : i32
    %dma_start3A_450 = tpu.memref_slice %arg5[%dma_start3A_448, %dma_start3A_449] : memref<20x250xi32, #tpu.memory_space<vmem>> -> memref<1x250xi32, #tpu.memory_space<vmem>>
    %dma_start3A_451 = tpu.memref_squeeze %dma_start3A_450 : memref<1x250xi32, #tpu.memory_space<vmem>> -> memref<250xi32, #tpu.memory_space<vmem>>
    %dma_start3A_452 = arith.constant 0 : i32
    %dma_start3A_453 = arith.constant 0 : i32
    %dma_start3A_454 = tpu.memref_slice %arg2[%dma_start3A_452, %dma_start3A_453] : memref<10000x16xf32, #tpu.memory_space<hbm>> -> memref<10000x16xf32, #tpu.memory_space<hbm>>
    tpu.enqueue_indirect_dma source(%dma_start3A_454 : memref<10000x16xf32, #tpu.memory_space<hbm>>) target(%arg7 : memref<250x16xf32, #tpu.memory_space<vmem>>) offsets(%dma_start3A_451 : memref<250xi32, #tpu.memory_space<vmem>>) semaphore(%arg10 : memref<!tpu.dma_semaphore, #tpu.memory_space<semaphore_mem>>)
    %scan3A_455 = arith.constant 0 : i32
    %scan3A_456 = arith.constant 0 : i32
    %scan3A_457 = arith.constant 250 : i32
    %scan3A_458 = arith.addi %scan3A_456, %scan3A_457 : i32
    %scan3A_459 = arith.constant 1 : i32
    %scan3A_460 = scf.for %scan3A_620 = %scan3A_456 to %scan3A_458 step %scan3A_459 iter_args(%scan3A_621 = %scan3A_455) -> (i32)  : i32 {
      %get3A = arith.index_cast %scan3A_620 : i32 to index
      %get3A_622 = arith.constant 0 : index
      %get3A_623 = tpu.vector_load %arg6[%get3A, %get3A_622] {strides = array<i32>} : memref<250x16xf32, #tpu.memory_space<vmem>>, vector<1x16xf32>,
      %get3A_624 = vector.shape_cast %get3A_623 : vector<1x16xf32> to vector<16xf32>
      %swap3A = arith.index_cast %scan3A_620 : i32 to index
      %swap3A_625 = arith.constant 0 : index
      %swap3A_626 = tpu.vector_load %arg8[%swap3A, %swap3A_625] {strides = array<i32>} : memref<250x128xf32, #tpu.memory_space<vmem>>, vector<1x16xf32>,
      %swap3A_627 = vector.shape_cast %swap3A_626 : vector<1x16xf32> to vector<16xf32>
      %swap3A_628 = vector.shape_cast %get3A_624 : vector<16xf32> to vector<1x16xf32>
      tpu.vector_store %arg8[%swap3A, %swap3A_625], %swap3A_628 {strides = array<i32>} : memref<250x128xf32, #tpu.memory_space<vmem>>, vector<1x16xf32>,
      %scan3A_629 = arith.constant 0 : i32
      scf.yield %scan3A_629 : i32
    }
    %scan3A_461 = arith.constant 250 : i32
    %add3A_462 = arith.constant 3500 : i32
    %add3A_463 = arith.addi %mul3A_2, %add3A_462 : i32
    %dma_start3A_464 = arith.constant 0 : i32
    %dma_start3A_465 = tpu.memref_slice %arg4[%add3A_463, %dma_start3A_464] : memref<160000x128xf32, #tpu.memory_space<hbm>> -> memref<250x128xf32, #tpu.memory_space<hbm>>
    %dma_start3A_466 = arith.constant 0 : i32
    %dma_start3A_467 = tpu.memref_slice %arg4[%add3A_463, %dma_start3A_466] : memref<160000x128xf32, #tpu.memory_space<hbm>> -> memref<250x128xf32, #tpu.memory_space<hbm>>
    tpu.enqueue_dma source(%arg8 : memref<250x128xf32, #tpu.memory_space<vmem>>) target(%dma_start3A_467 : memref<250x128xf32, #tpu.memory_space<hbm>>) target_semaphore(%arg11 : memref<!tpu.dma_semaphore, #tpu.memory_space<semaphore_mem>>)
    %dma_wait3A_468 = arith.constant 15 : i32
    %dma_wait3A_469 = arith.constant 0 : i32
    %dma_wait3A_470 = tpu.memref_slice %arg5[%dma_wait3A_468, %dma_wait3A_469] : memref<20x250xi32, #tpu.memory_space<vmem>> -> memref<1x250xi32, #tpu.memory_space<vmem>>
    %dma_wait3A_471 = tpu.memref_squeeze %dma_wait3A_470 : memref<1x250xi32, #tpu.memory_space<vmem>> -> memref<250xi32, #tpu.memory_space<vmem>>
    %dma_wait3A_472 = arith.constant 0 : i32
    %dma_wait3A_473 = arith.constant 0 : i32
    %dma_wait3A_474 = tpu.memref_slice %arg2[%dma_wait3A_472, %dma_wait3A_473] : memref<10000x16xf32, #tpu.memory_space<hbm>> -> memref<10000x16xf32, #tpu.memory_space<hbm>>
    tpu.wait_indirect_dma semaphore(%arg10 : memref<!tpu.dma_semaphore, #tpu.memory_space<semaphore_mem>>) src(%dma_wait3A_474 : memref<10000x16xf32, #tpu.memory_space<hbm>>) dst(%arg7 : memref<250x16xf32, #tpu.memory_space<vmem>>)
    %dma_wait3A_475 = arith.constant 0 : i32
    %dma_wait3A_476 = tpu.memref_slice %arg4[%add3A_463, %dma_wait3A_475] : memref<160000x128xf32, #tpu.memory_space<hbm>> -> memref<250x128xf32, #tpu.memory_space<hbm>>
    %dma_wait3A_477 = arith.constant 0 : i32
    %dma_wait3A_478 = tpu.memref_slice %arg4[%add3A_463, %dma_wait3A_477] : memref<160000x128xf32, #tpu.memory_space<hbm>> -> memref<250x128xf32, #tpu.memory_space<hbm>>
    tpu.wait_dma2 semaphore(%arg11 : memref<!tpu.dma_semaphore, #tpu.memory_space<semaphore_mem>>) src(%arg8 : memref<250x128xf32, #tpu.memory_space<vmem>>) dst(%dma_wait3A_478 : memref<250x128xf32, #tpu.memory_space<hbm>>)
    %dma_start3A_479 = arith.constant 16 : i32
    %dma_start3A_480 = arith.constant 0 : i32
    %dma_start3A_481 = tpu.memref_slice %arg5[%dma_start3A_479, %dma_start3A_480] : memref<20x250xi32, #tpu.memory_space<vmem>> -> memref<1x250xi32, #tpu.memory_space<vmem>>
    %dma_start3A_482 = tpu.memref_squeeze %dma_start3A_481 : memref<1x250xi32, #tpu.memory_space<vmem>> -> memref<250xi32, #tpu.memory_space<vmem>>
    %dma_start3A_483 = arith.constant 0 : i32
    %dma_start3A_484 = arith.constant 0 : i32
    %dma_start3A_485 = tpu.memref_slice %arg2[%dma_start3A_483, %dma_start3A_484] : memref<10000x16xf32, #tpu.memory_space<hbm>> -> memref<10000x16xf32, #tpu.memory_space<hbm>>
    tpu.enqueue_indirect_dma source(%dma_start3A_485 : memref<10000x16xf32, #tpu.memory_space<hbm>>) target(%arg6 : memref<250x16xf32, #tpu.memory_space<vmem>>) offsets(%dma_start3A_482 : memref<250xi32, #tpu.memory_space<vmem>>) semaphore(%arg10 : memref<!tpu.dma_semaphore, #tpu.memory_space<semaphore_mem>>)
    %scan3A_486 = arith.constant 0 : i32
    %scan3A_487 = arith.constant 0 : i32
    %scan3A_488 = arith.constant 250 : i32
    %scan3A_489 = arith.addi %scan3A_487, %scan3A_488 : i32
    %scan3A_490 = arith.constant 1 : i32
    %scan3A_491 = scf.for %scan3A_620 = %scan3A_487 to %scan3A_489 step %scan3A_490 iter_args(%scan3A_621 = %scan3A_486) -> (i32)  : i32 {
      %get3A = arith.index_cast %scan3A_620 : i32 to index
      %get3A_622 = arith.constant 0 : index
      %get3A_623 = tpu.vector_load %arg7[%get3A, %get3A_622] {strides = array<i32>} : memref<250x16xf32, #tpu.memory_space<vmem>>, vector<1x16xf32>,
      %get3A_624 = vector.shape_cast %get3A_623 : vector<1x16xf32> to vector<16xf32>
      %swap3A = arith.index_cast %scan3A_620 : i32 to index
      %swap3A_625 = arith.constant 0 : index
      %swap3A_626 = tpu.vector_load %arg9[%swap3A, %swap3A_625] {strides = array<i32>} : memref<250x128xf32, #tpu.memory_space<vmem>>, vector<1x16xf32>,
      %swap3A_627 = vector.shape_cast %swap3A_626 : vector<1x16xf32> to vector<16xf32>
      %swap3A_628 = vector.shape_cast %get3A_624 : vector<16xf32> to vector<1x16xf32>
      tpu.vector_store %arg9[%swap3A, %swap3A_625], %swap3A_628 {strides = array<i32>} : memref<250x128xf32, #tpu.memory_space<vmem>>, vector<1x16xf32>,
      %scan3A_629 = arith.constant 0 : i32
      scf.yield %scan3A_629 : i32
    }
    %scan3A_492 = arith.constant 250 : i32
    %add3A_493 = arith.constant 3750 : i32
    %add3A_494 = arith.addi %mul3A_2, %add3A_493 : i32
    %dma_start3A_495 = arith.constant 0 : i32
    %dma_start3A_496 = tpu.memref_slice %arg4[%add3A_494, %dma_start3A_495] : memref<160000x128xf32, #tpu.memory_space<hbm>> -> memref<250x128xf32, #tpu.memory_space<hbm>>
    %dma_start3A_497 = arith.constant 0 : i32
    %dma_start3A_498 = tpu.memref_slice %arg4[%add3A_494, %dma_start3A_497] : memref<160000x128xf32, #tpu.memory_space<hbm>> -> memref<250x128xf32, #tpu.memory_space<hbm>>
    tpu.enqueue_dma source(%arg9 : memref<250x128xf32, #tpu.memory_space<vmem>>) target(%dma_start3A_498 : memref<250x128xf32, #tpu.memory_space<hbm>>) target_semaphore(%arg11 : memref<!tpu.dma_semaphore, #tpu.memory_space<semaphore_mem>>)
    %dma_wait3A_499 = arith.constant 16 : i32
    %dma_wait3A_500 = arith.constant 0 : i32
    %dma_wait3A_501 = tpu.memref_slice %arg5[%dma_wait3A_499, %dma_wait3A_500] : memref<20x250xi32, #tpu.memory_space<vmem>> -> memref<1x250xi32, #tpu.memory_space<vmem>>
    %dma_wait3A_502 = tpu.memref_squeeze %dma_wait3A_501 : memref<1x250xi32, #tpu.memory_space<vmem>> -> memref<250xi32, #tpu.memory_space<vmem>>
    %dma_wait3A_503 = arith.constant 0 : i32
    %dma_wait3A_504 = arith.constant 0 : i32
    %dma_wait3A_505 = tpu.memref_slice %arg2[%dma_wait3A_503, %dma_wait3A_504] : memref<10000x16xf32, #tpu.memory_space<hbm>> -> memref<10000x16xf32, #tpu.memory_space<hbm>>
    tpu.wait_indirect_dma semaphore(%arg10 : memref<!tpu.dma_semaphore, #tpu.memory_space<semaphore_mem>>) src(%dma_wait3A_505 : memref<10000x16xf32, #tpu.memory_space<hbm>>) dst(%arg6 : memref<250x16xf32, #tpu.memory_space<vmem>>)
    %dma_wait3A_506 = arith.constant 0 : i32
    %dma_wait3A_507 = tpu.memref_slice %arg4[%add3A_494, %dma_wait3A_506] : memref<160000x128xf32, #tpu.memory_space<hbm>> -> memref<250x128xf32, #tpu.memory_space<hbm>>
    %dma_wait3A_508 = arith.constant 0 : i32
    %dma_wait3A_509 = tpu.memref_slice %arg4[%add3A_494, %dma_wait3A_508] : memref<160000x128xf32, #tpu.memory_space<hbm>> -> memref<250x128xf32, #tpu.memory_space<hbm>>
    tpu.wait_dma2 semaphore(%arg11 : memref<!tpu.dma_semaphore, #tpu.memory_space<semaphore_mem>>) src(%arg9 : memref<250x128xf32, #tpu.memory_space<vmem>>) dst(%dma_wait3A_509 : memref<250x128xf32, #tpu.memory_space<hbm>>)
    %dma_start3A_510 = arith.constant 17 : i32
    %dma_start3A_511 = arith.constant 0 : i32
    %dma_start3A_512 = tpu.memref_slice %arg5[%dma_start3A_510, %dma_start3A_511] : memref<20x250xi32, #tpu.memory_space<vmem>> -> memref<1x250xi32, #tpu.memory_space<vmem>>
    %dma_start3A_513 = tpu.memref_squeeze %dma_start3A_512 : memref<1x250xi32, #tpu.memory_space<vmem>> -> memref<250xi32, #tpu.memory_space<vmem>>
    %dma_start3A_514 = arith.constant 0 : i32
    %dma_start3A_515 = arith.constant 0 : i32
    %dma_start3A_516 = tpu.memref_slice %arg2[%dma_start3A_514, %dma_start3A_515] : memref<10000x16xf32, #tpu.memory_space<hbm>> -> memref<10000x16xf32, #tpu.memory_space<hbm>>
    tpu.enqueue_indirect_dma source(%dma_start3A_516 : memref<10000x16xf32, #tpu.memory_space<hbm>>) target(%arg7 : memref<250x16xf32, #tpu.memory_space<vmem>>) offsets(%dma_start3A_513 : memref<250xi32, #tpu.memory_space<vmem>>) semaphore(%arg10 : memref<!tpu.dma_semaphore, #tpu.memory_space<semaphore_mem>>)
    %scan3A_517 = arith.constant 0 : i32
    %scan3A_518 = arith.constant 0 : i32
    %scan3A_519 = arith.constant 250 : i32
    %scan3A_520 = arith.addi %scan3A_518, %scan3A_519 : i32
    %scan3A_521 = arith.constant 1 : i32
    %scan3A_522 = scf.for %scan3A_620 = %scan3A_518 to %scan3A_520 step %scan3A_521 iter_args(%scan3A_621 = %scan3A_517) -> (i32)  : i32 {
      %get3A = arith.index_cast %scan3A_620 : i32 to index
      %get3A_622 = arith.constant 0 : index
      %get3A_623 = tpu.vector_load %arg6[%get3A, %get3A_622] {strides = array<i32>} : memref<250x16xf32, #tpu.memory_space<vmem>>, vector<1x16xf32>,
      %get3A_624 = vector.shape_cast %get3A_623 : vector<1x16xf32> to vector<16xf32>
      %swap3A = arith.index_cast %scan3A_620 : i32 to index
      %swap3A_625 = arith.constant 0 : index
      %swap3A_626 = tpu.vector_load %arg8[%swap3A, %swap3A_625] {strides = array<i32>} : memref<250x128xf32, #tpu.memory_space<vmem>>, vector<1x16xf32>,
      %swap3A_627 = vector.shape_cast %swap3A_626 : vector<1x16xf32> to vector<16xf32>
      %swap3A_628 = vector.shape_cast %get3A_624 : vector<16xf32> to vector<1x16xf32>
      tpu.vector_store %arg8[%swap3A, %swap3A_625], %swap3A_628 {strides = array<i32>} : memref<250x128xf32, #tpu.memory_space<vmem>>, vector<1x16xf32>,
      %scan3A_629 = arith.constant 0 : i32
      scf.yield %scan3A_629 : i32
    }
    %scan3A_523 = arith.constant 250 : i32
    %add3A_524 = arith.constant 4000 : i32
    %add3A_525 = arith.addi %mul3A_2, %add3A_524 : i32
    %dma_start3A_526 = arith.constant 0 : i32
    %dma_start3A_527 = tpu.memref_slice %arg4[%add3A_525, %dma_start3A_526] : memref<160000x128xf32, #tpu.memory_space<hbm>> -> memref<250x128xf32, #tpu.memory_space<hbm>>
    %dma_start3A_528 = arith.constant 0 : i32
    %dma_start3A_529 = tpu.memref_slice %arg4[%add3A_525, %dma_start3A_528] : memref<160000x128xf32, #tpu.memory_space<hbm>> -> memref<250x128xf32, #tpu.memory_space<hbm>>
    tpu.enqueue_dma source(%arg8 : memref<250x128xf32, #tpu.memory_space<vmem>>) target(%dma_start3A_529 : memref<250x128xf32, #tpu.memory_space<hbm>>) target_semaphore(%arg11 : memref<!tpu.dma_semaphore, #tpu.memory_space<semaphore_mem>>)
    %dma_wait3A_530 = arith.constant 17 : i32
    %dma_wait3A_531 = arith.constant 0 : i32
    %dma_wait3A_532 = tpu.memref_slice %arg5[%dma_wait3A_530, %dma_wait3A_531] : memref<20x250xi32, #tpu.memory_space<vmem>> -> memref<1x250xi32, #tpu.memory_space<vmem>>
    %dma_wait3A_533 = tpu.memref_squeeze %dma_wait3A_532 : memref<1x250xi32, #tpu.memory_space<vmem>> -> memref<250xi32, #tpu.memory_space<vmem>>
    %dma_wait3A_534 = arith.constant 0 : i32
    %dma_wait3A_535 = arith.constant 0 : i32
    %dma_wait3A_536 = tpu.memref_slice %arg2[%dma_wait3A_534, %dma_wait3A_535] : memref<10000x16xf32, #tpu.memory_space<hbm>> -> memref<10000x16xf32, #tpu.memory_space<hbm>>
    tpu.wait_indirect_dma semaphore(%arg10 : memref<!tpu.dma_semaphore, #tpu.memory_space<semaphore_mem>>) src(%dma_wait3A_536 : memref<10000x16xf32, #tpu.memory_space<hbm>>) dst(%arg7 : memref<250x16xf32, #tpu.memory_space<vmem>>)
    %dma_wait3A_537 = arith.constant 0 : i32
    %dma_wait3A_538 = tpu.memref_slice %arg4[%add3A_525, %dma_wait3A_537] : memref<160000x128xf32, #tpu.memory_space<hbm>> -> memref<250x128xf32, #tpu.memory_space<hbm>>
    %dma_wait3A_539 = arith.constant 0 : i32
    %dma_wait3A_540 = tpu.memref_slice %arg4[%add3A_525, %dma_wait3A_539] : memref<160000x128xf32, #tpu.memory_space<hbm>> -> memref<250x128xf32, #tpu.memory_space<hbm>>
    tpu.wait_dma2 semaphore(%arg11 : memref<!tpu.dma_semaphore, #tpu.memory_space<semaphore_mem>>) src(%arg8 : memref<250x128xf32, #tpu.memory_space<vmem>>) dst(%dma_wait3A_540 : memref<250x128xf32, #tpu.memory_space<hbm>>)
    %dma_start3A_541 = arith.constant 18 : i32
    %dma_start3A_542 = arith.constant 0 : i32
    %dma_start3A_543 = tpu.memref_slice %arg5[%dma_start3A_541, %dma_start3A_542] : memref<20x250xi32, #tpu.memory_space<vmem>> -> memref<1x250xi32, #tpu.memory_space<vmem>>
    %dma_start3A_544 = tpu.memref_squeeze %dma_start3A_543 : memref<1x250xi32, #tpu.memory_space<vmem>> -> memref<250xi32, #tpu.memory_space<vmem>>
    %dma_start3A_545 = arith.constant 0 : i32
    %dma_start3A_546 = arith.constant 0 : i32
    %dma_start3A_547 = tpu.memref_slice %arg2[%dma_start3A_545, %dma_start3A_546] : memref<10000x16xf32, #tpu.memory_space<hbm>> -> memref<10000x16xf32, #tpu.memory_space<hbm>>
    tpu.enqueue_indirect_dma source(%dma_start3A_547 : memref<10000x16xf32, #tpu.memory_space<hbm>>) target(%arg6 : memref<250x16xf32, #tpu.memory_space<vmem>>) offsets(%dma_start3A_544 : memref<250xi32, #tpu.memory_space<vmem>>) semaphore(%arg10 : memref<!tpu.dma_semaphore, #tpu.memory_space<semaphore_mem>>)
    %scan3A_548 = arith.constant 0 : i32
    %scan3A_549 = arith.constant 0 : i32
    %scan3A_550 = arith.constant 250 : i32
    %scan3A_551 = arith.addi %scan3A_549, %scan3A_550 : i32
    %scan3A_552 = arith.constant 1 : i32
    %scan3A_553 = scf.for %scan3A_620 = %scan3A_549 to %scan3A_551 step %scan3A_552 iter_args(%scan3A_621 = %scan3A_548) -> (i32)  : i32 {
      %get3A = arith.index_cast %scan3A_620 : i32 to index
      %get3A_622 = arith.constant 0 : index
      %get3A_623 = tpu.vector_load %arg7[%get3A, %get3A_622] {strides = array<i32>} : memref<250x16xf32, #tpu.memory_space<vmem>>, vector<1x16xf32>,
      %get3A_624 = vector.shape_cast %get3A_623 : vector<1x16xf32> to vector<16xf32>
      %swap3A = arith.index_cast %scan3A_620 : i32 to index
      %swap3A_625 = arith.constant 0 : index
      %swap3A_626 = tpu.vector_load %arg9[%swap3A, %swap3A_625] {strides = array<i32>} : memref<250x128xf32, #tpu.memory_space<vmem>>, vector<1x16xf32>,
      %swap3A_627 = vector.shape_cast %swap3A_626 : vector<1x16xf32> to vector<16xf32>
      %swap3A_628 = vector.shape_cast %get3A_624 : vector<16xf32> to vector<1x16xf32>
      tpu.vector_store %arg9[%swap3A, %swap3A_625], %swap3A_628 {strides = array<i32>} : memref<250x128xf32, #tpu.memory_space<vmem>>, vector<1x16xf32>,
      %scan3A_629 = arith.constant 0 : i32
      scf.yield %scan3A_629 : i32
    }
    %scan3A_554 = arith.constant 250 : i32
    %add3A_555 = arith.constant 4250 : i32
    %add3A_556 = arith.addi %mul3A_2, %add3A_555 : i32
    %dma_start3A_557 = arith.constant 0 : i32
    %dma_start3A_558 = tpu.memref_slice %arg4[%add3A_556, %dma_start3A_557] : memref<160000x128xf32, #tpu.memory_space<hbm>> -> memref<250x128xf32, #tpu.memory_space<hbm>>
    %dma_start3A_559 = arith.constant 0 : i32
    %dma_start3A_560 = tpu.memref_slice %arg4[%add3A_556, %dma_start3A_559] : memref<160000x128xf32, #tpu.memory_space<hbm>> -> memref<250x128xf32, #tpu.memory_space<hbm>>
    tpu.enqueue_dma source(%arg9 : memref<250x128xf32, #tpu.memory_space<vmem>>) target(%dma_start3A_560 : memref<250x128xf32, #tpu.memory_space<hbm>>) target_semaphore(%arg11 : memref<!tpu.dma_semaphore, #tpu.memory_space<semaphore_mem>>)
    %dma_wait3A_561 = arith.constant 18 : i32
    %dma_wait3A_562 = arith.constant 0 : i32
    %dma_wait3A_563 = tpu.memref_slice %arg5[%dma_wait3A_561, %dma_wait3A_562] : memref<20x250xi32, #tpu.memory_space<vmem>> -> memref<1x250xi32, #tpu.memory_space<vmem>>
    %dma_wait3A_564 = tpu.memref_squeeze %dma_wait3A_563 : memref<1x250xi32, #tpu.memory_space<vmem>> -> memref<250xi32, #tpu.memory_space<vmem>>
    %dma_wait3A_565 = arith.constant 0 : i32
    %dma_wait3A_566 = arith.constant 0 : i32
    %dma_wait3A_567 = tpu.memref_slice %arg2[%dma_wait3A_565, %dma_wait3A_566] : memref<10000x16xf32, #tpu.memory_space<hbm>> -> memref<10000x16xf32, #tpu.memory_space<hbm>>
    tpu.wait_indirect_dma semaphore(%arg10 : memref<!tpu.dma_semaphore, #tpu.memory_space<semaphore_mem>>) src(%dma_wait3A_567 : memref<10000x16xf32, #tpu.memory_space<hbm>>) dst(%arg6 : memref<250x16xf32, #tpu.memory_space<vmem>>)
    %dma_wait3A_568 = arith.constant 0 : i32
    %dma_wait3A_569 = tpu.memref_slice %arg4[%add3A_556, %dma_wait3A_568] : memref<160000x128xf32, #tpu.memory_space<hbm>> -> memref<250x128xf32, #tpu.memory_space<hbm>>
    %dma_wait3A_570 = arith.constant 0 : i32
    %dma_wait3A_571 = tpu.memref_slice %arg4[%add3A_556, %dma_wait3A_570] : memref<160000x128xf32, #tpu.memory_space<hbm>> -> memref<250x128xf32, #tpu.memory_space<hbm>>
    tpu.wait_dma2 semaphore(%arg11 : memref<!tpu.dma_semaphore, #tpu.memory_space<semaphore_mem>>) src(%arg9 : memref<250x128xf32, #tpu.memory_space<vmem>>) dst(%dma_wait3A_571 : memref<250x128xf32, #tpu.memory_space<hbm>>)
    %dma_start3A_572 = arith.constant 19 : i32
    %dma_start3A_573 = arith.constant 0 : i32
    %dma_start3A_574 = tpu.memref_slice %arg5[%dma_start3A_572, %dma_start3A_573] : memref<20x250xi32, #tpu.memory_space<vmem>> -> memref<1x250xi32, #tpu.memory_space<vmem>>
    %dma_start3A_575 = tpu.memref_squeeze %dma_start3A_574 : memref<1x250xi32, #tpu.memory_space<vmem>> -> memref<250xi32, #tpu.memory_space<vmem>>
    %dma_start3A_576 = arith.constant 0 : i32
    %dma_start3A_577 = arith.constant 0 : i32
    %dma_start3A_578 = tpu.memref_slice %arg2[%dma_start3A_576, %dma_start3A_577] : memref<10000x16xf32, #tpu.memory_space<hbm>> -> memref<10000x16xf32, #tpu.memory_space<hbm>>
    tpu.enqueue_indirect_dma source(%dma_start3A_578 : memref<10000x16xf32, #tpu.memory_space<hbm>>) target(%arg7 : memref<250x16xf32, #tpu.memory_space<vmem>>) offsets(%dma_start3A_575 : memref<250xi32, #tpu.memory_space<vmem>>) semaphore(%arg10 : memref<!tpu.dma_semaphore, #tpu.memory_space<semaphore_mem>>)
    %scan3A_579 = arith.constant 0 : i32
    %scan3A_580 = arith.constant 0 : i32
    %scan3A_581 = arith.constant 250 : i32
    %scan3A_582 = arith.addi %scan3A_580, %scan3A_581 : i32
    %scan3A_583 = arith.constant 1 : i32
    %scan3A_584 = scf.for %scan3A_620 = %scan3A_580 to %scan3A_582 step %scan3A_583 iter_args(%scan3A_621 = %scan3A_579) -> (i32)  : i32 {
      %get3A = arith.index_cast %scan3A_620 : i32 to index
      %get3A_622 = arith.constant 0 : index
      %get3A_623 = tpu.vector_load %arg6[%get3A, %get3A_622] {strides = array<i32>} : memref<250x16xf32, #tpu.memory_space<vmem>>, vector<1x16xf32>,
      %get3A_624 = vector.shape_cast %get3A_623 : vector<1x16xf32> to vector<16xf32>
      %swap3A = arith.index_cast %scan3A_620 : i32 to index
      %swap3A_625 = arith.constant 0 : index
      %swap3A_626 = tpu.vector_load %arg8[%swap3A, %swap3A_625] {strides = array<i32>} : memref<250x128xf32, #tpu.memory_space<vmem>>, vector<1x16xf32>,
      %swap3A_627 = vector.shape_cast %swap3A_626 : vector<1x16xf32> to vector<16xf32>
      %swap3A_628 = vector.shape_cast %get3A_624 : vector<16xf32> to vector<1x16xf32>
      tpu.vector_store %arg8[%swap3A, %swap3A_625], %swap3A_628 {strides = array<i32>} : memref<250x128xf32, #tpu.memory_space<vmem>>, vector<1x16xf32>,
      %scan3A_629 = arith.constant 0 : i32
      scf.yield %scan3A_629 : i32
    }
    %scan3A_585 = arith.constant 250 : i32
    %add3A_586 = arith.constant 4500 : i32
    %add3A_587 = arith.addi %mul3A_2, %add3A_586 : i32
    %dma_start3A_588 = arith.constant 0 : i32
    %dma_start3A_589 = tpu.memref_slice %arg4[%add3A_587, %dma_start3A_588] : memref<160000x128xf32, #tpu.memory_space<hbm>> -> memref<250x128xf32, #tpu.memory_space<hbm>>
    %dma_start3A_590 = arith.constant 0 : i32
    %dma_start3A_591 = tpu.memref_slice %arg4[%add3A_587, %dma_start3A_590] : memref<160000x128xf32, #tpu.memory_space<hbm>> -> memref<250x128xf32, #tpu.memory_space<hbm>>
    tpu.enqueue_dma source(%arg8 : memref<250x128xf32, #tpu.memory_space<vmem>>) target(%dma_start3A_591 : memref<250x128xf32, #tpu.memory_space<hbm>>) target_semaphore(%arg11 : memref<!tpu.dma_semaphore, #tpu.memory_space<semaphore_mem>>)
    %dma_wait3A_592 = arith.constant 19 : i32
    %dma_wait3A_593 = arith.constant 0 : i32
    %dma_wait3A_594 = tpu.memref_slice %arg5[%dma_wait3A_592, %dma_wait3A_593] : memref<20x250xi32, #tpu.memory_space<vmem>> -> memref<1x250xi32, #tpu.memory_space<vmem>>
    %dma_wait3A_595 = tpu.memref_squeeze %dma_wait3A_594 : memref<1x250xi32, #tpu.memory_space<vmem>> -> memref<250xi32, #tpu.memory_space<vmem>>
    %dma_wait3A_596 = arith.constant 0 : i32
    %dma_wait3A_597 = arith.constant 0 : i32
    %dma_wait3A_598 = tpu.memref_slice %arg2[%dma_wait3A_596, %dma_wait3A_597] : memref<10000x16xf32, #tpu.memory_space<hbm>> -> memref<10000x16xf32, #tpu.memory_space<hbm>>
    tpu.wait_indirect_dma semaphore(%arg10 : memref<!tpu.dma_semaphore, #tpu.memory_space<semaphore_mem>>) src(%dma_wait3A_598 : memref<10000x16xf32, #tpu.memory_space<hbm>>) dst(%arg7 : memref<250x16xf32, #tpu.memory_space<vmem>>)
    %dma_wait3A_599 = arith.constant 0 : i32
    %dma_wait3A_600 = tpu.memref_slice %arg4[%add3A_587, %dma_wait3A_599] : memref<160000x128xf32, #tpu.memory_space<hbm>> -> memref<250x128xf32, #tpu.memory_space<hbm>>
    %dma_wait3A_601 = arith.constant 0 : i32
    %dma_wait3A_602 = tpu.memref_slice %arg4[%add3A_587, %dma_wait3A_601] : memref<160000x128xf32, #tpu.memory_space<hbm>> -> memref<250x128xf32, #tpu.memory_space<hbm>>
    tpu.wait_dma2 semaphore(%arg11 : memref<!tpu.dma_semaphore, #tpu.memory_space<semaphore_mem>>) src(%arg8 : memref<250x128xf32, #tpu.memory_space<vmem>>) dst(%dma_wait3A_602 : memref<250x128xf32, #tpu.memory_space<hbm>>)
    %scan3A_603 = arith.constant 0 : i32
    %scan3A_604 = arith.constant 0 : i32
    %scan3A_605 = arith.constant 250 : i32
    %scan3A_606 = arith.addi %scan3A_604, %scan3A_605 : i32
    %scan3A_607 = arith.constant 1 : i32
    %scan3A_608 = scf.for %scan3A_620 = %scan3A_604 to %scan3A_606 step %scan3A_607 iter_args(%scan3A_621 = %scan3A_603) -> (i32)  : i32 {
      %get3A = arith.index_cast %scan3A_620 : i32 to index
      %get3A_622 = arith.constant 0 : index
      %get3A_623 = tpu.vector_load %arg7[%get3A, %get3A_622] {strides = array<i32>} : memref<250x16xf32, #tpu.memory_space<vmem>>, vector<1x16xf32>,
      %get3A_624 = vector.shape_cast %get3A_623 : vector<1x16xf32> to vector<16xf32>
      %swap3A = arith.index_cast %scan3A_620 : i32 to index
      %swap3A_625 = arith.constant 0 : index
      %swap3A_626 = tpu.vector_load %arg9[%swap3A, %swap3A_625] {strides = array<i32>} : memref<250x128xf32, #tpu.memory_space<vmem>>, vector<1x16xf32>,
      %swap3A_627 = vector.shape_cast %swap3A_626 : vector<1x16xf32> to vector<16xf32>
      %swap3A_628 = vector.shape_cast %get3A_624 : vector<16xf32> to vector<1x16xf32>
      tpu.vector_store %arg9[%swap3A, %swap3A_625], %swap3A_628 {strides = array<i32>} : memref<250x128xf32, #tpu.memory_space<vmem>>, vector<1x16xf32>,
      %scan3A_629 = arith.constant 0 : i32
      scf.yield %scan3A_629 : i32
    }
    %scan3A_609 = arith.constant 250 : i32
    %add3A_610 = arith.constant 4750 : i32
    %add3A_611 = arith.addi %mul3A_2, %add3A_610 : i32
    %dma_start3A_612 = arith.constant 0 : i32
    %dma_start3A_613 = tpu.memref_slice %arg4[%add3A_611, %dma_start3A_612] : memref<160000x128xf32, #tpu.memory_space<hbm>> -> memref<250x128xf32, #tpu.memory_space<hbm>>
    %dma_start3A_614 = arith.constant 0 : i32
    %dma_start3A_615 = tpu.memref_slice %arg4[%add3A_611, %dma_start3A_614] : memref<160000x128xf32, #tpu.memory_space<hbm>> -> memref<250x128xf32, #tpu.memory_space<hbm>>
    tpu.enqueue_dma source(%arg9 : memref<250x128xf32, #tpu.memory_space<vmem>>) target(%dma_start3A_615 : memref<250x128xf32, #tpu.memory_space<hbm>>) target_semaphore(%arg11 : memref<!tpu.dma_semaphore, #tpu.memory_space<semaphore_mem>>)
    %dma_wait3A_616 = arith.constant 0 : i32
    %dma_wait3A_617 = tpu.memref_slice %arg4[%add3A_611, %dma_wait3A_616] : memref<160000x128xf32, #tpu.memory_space<hbm>> -> memref<250x128xf32, #tpu.memory_space<hbm>>
    %dma_wait3A_618 = arith.constant 0 : i32
    %dma_wait3A_619 = tpu.memref_slice %arg4[%add3A_611, %dma_wait3A_618] : memref<160000x128xf32, #tpu.memory_space<hbm>> -> memref<250x128xf32, #tpu.memory_space<hbm>>
    tpu.wait_dma2 semaphore(%arg11 : memref<!tpu.dma_semaphore, #tpu.memory_space<semaphore_mem>>) src(%arg9 : memref<250x128xf32, #tpu.memory_space<vmem>>) dst(%dma_wait3A_619 : memref<250x128xf32, #tpu.memory_space<hbm>>)
    return
  }
}

</mosaic_0001>

<sc_bundles>
// kernel: _sc_gather.3.cloned.1.call-start
scs
__scs_entry_jumppad:
0x0: {  	(pc) =	sbr.rel $0x88, $3  }
0x1: {  	(tag) =	ssettag $0x0;
	lr =	simm.s32 $0x1  }
0x2: {  	[smem:$0x3F9F] =	sst lr;
	_ =	strace $0xD0000000  }
0x3: {  	_ = 	snop  }
0x4: {  	_ = 	snop  }
0x5: {  	_ = 	snop  }
0x6: {  	_ = 	snop  }
0x7: {  	_ = 	snop  }
__scs_overlays_trampoline_lowered:
0x8: {  	[smem:$0x3FAE] =	sst s0  }
0x9: {  	[smem:$0x3FAF] =	sst s1  }
0xa: {  	[smem:$0x3FB0] =	sst s2  }
0xb: {  	[smem:$0x3FB1] =	sst s3  }
0xc: {  	[smem:$0x3FB2] =	sst s4  }
0xd: {  	[smem:$0x3FB3] =	sst s5  }
0xe: {  	[smem:$0x3FB4] =	sst s6  }
0xf: {  	[smem:$0x3FB5] =	sst s7  }
0x10: {  	[smem:$0x3FB6] =	sst s8  }
0x11: {  	[smem:$0x3FB7] =	sst s9;
	s0 =	simm.s32 @!p0 $0x0  }
0x12: {  	s1 =	sld [smem:$0x3F9D];
	s0 =	simm.s32 @p0 $0x1  }
0x13: {  	[smem:$0x3FB8] =	sst s0;
	s0 =	simm.s32 @!p1 $0x0  }
0x14: {  	s2 =	sld [smem:$0x3F9C];
	s0 =	simm.s32 @p1 $0x1  }
0x15: {  	[smem:$0x3FB9] =	sst s0;
	s0 =	simm.s32 @!p2 $0x0  }
0x16: {  	s3 =	sld [smem:$0x3FDB];
	s0 =	simm.s32 @p2 $0x1  }
0x17: {  	s4 =	simm.s32 $0x1BF5;
	[smem:$0x3FBB] =	sst s0  }
0x18: {  	s0 =	sld [smem:$0x3F9E];
	_ =	swait.ge [sflag:s4], $0x0  }
0x19: {  	s7 =	sld [smem:$0x3F9F]  }
0x1a: {  	s8 =	sadd.s32 $0xFFFFE003, lr  }
0x1b: {  	s9 =	sadd.s32 $0xFFFFFEF7, lr;
	s5 =	simm.s32 $0xFFFFFFFF;
	p2 =	slt.u32 s8, $0xFFFFF086  }
0x1c: {  	p1 =	slt.u32 s9, $0xF7A;
	s5 =	simm.s32 @!p2 $0x0  }
0x1d: {  	s5 =	simm.s32 @p1 $0x1;
	p0 =	seq.s32 s7, s2  }
0x1e: {  	s7 =	smul.u32 @!p0 $0xF7A, s2;
	p2 =	seq.s32 @!p0 s5, $0x0  }
0x1f: {  	s9 =	smul.u32 $0xF7A, s1;
	s8 =	simm.s32 @!p0 $0x1BF5;
	p2 =	por !p2, p0  }
0x20: {  	[sflag:s8] =	ssyncset.s32 @!p0 $0xFFFFF086;
	s6 =	sadd.s32 @!p0 s3, s7;
	s7 =	simm.s32 @!p0 $0x108  }
0x21: {  	s3 =	sadd.s32 s3, s9;
	s6 =	sadd.s32 @!p0 $0x88, s6;
	s7 =	simm.s32 @p2 $0x1082  }
0x22: {  	[simem:s7], [sflag:s8] =	dma.local @!p0 [hbm:s6], $0xF7A  }
0x23: {  	s9 =	sor.u32 $0xD0000000, s2;
	s6 =	simm.s32 $0x108;
	_ =	swait.ge @!p0 [sflag:s8], $0x0  }
0x24: {  	s3 =	sadd.s32 $0x88, s3;
	s6 =	simm.s32 @!p1 $0x1082;
	[sflag:s4] =	ssyncset.s32 $0xFFFFF086  }
0x25: {  	[simem:s6], [sflag:s4] =	dma.local [hbm:s3], $0xF7A  }
0x26: {  	[smem:$0x3F9F] =	sst s1;
	(tag) =	ssettag s2;
	_ =	strace s9  }
0x27: {  	s1 =	sld [smem:$0x3FAF]  }
0x28: {  	s2 =	sld [smem:$0x3FB0]  }
0x29: {  	s4 =	sld [smem:$0x3FB2]  }
0x2a: {  	p0 =	seq.s32 s5, $0x0;
	s5 =	sld [smem:$0x3FB3]  }
0x2b: {  	s6 =	sld [smem:$0x3FB4]  }
0x2c: {  	s7 =	sld [smem:$0x3FB5]  }
0x2d: {  	s3 =	simm.s32 $0x108;
	s8 =	sld [smem:$0x3FB6]  }
0x2e: {  	s3 =	simm.s32 @!p0 $0x1082;
	s9 =	sld [smem:$0x3FB7]  }
0x2f: {  	lr =	sadd.s32 s0, s3;
	s0 =	sld [smem:$0x3FAE]  }
0x30: {  	s3 =	sld [smem:$0x3FB1]  }
0x31: {  	[smem:$0x3FBA] =	sst s10  }
0x32: {  	s10 =	sld [smem:$0x3FB8];
	_ =	sdelay $0x3  }
0x33: {  	p0 =	seq.s32 s10, $0x1;
	s10 =	sld [smem:$0x3FBA];
	_ =	sdelay $0x3  }
0x34: {  	[smem:$0x3FBA] =	sst s10  }
0x35: {  	s10 =	sld [smem:$0x3FB9];
	_ =	sdelay $0x3  }
0x36: {  	p1 =	seq.s32 s10, $0x1;
	s10 =	sld [smem:$0x3FBA];
	_ =	sdelay $0x3  }
0x37: {  	[smem:$0x3FBA] =	sst s10  }
0x38: {  	s10 =	sld [smem:$0x3FBB]  }
0x39: {  	_ = 	snop;
	(pc) =	sbr.ind lr, $3  }
0x3a: {  	_ = 	snop  }
0x3b: {  	_ = 	snop  }
0x3c: {  	p2 =	seq.s32 s10, $0x1;
	s10 =	sld [smem:$0x3FBA]  }
0x3d: {  	_ =	shalt  }
0x3e: {  	_ =	shalt  }
0x3f: {  	_ =	shalt  }
0x40: {  	_ =	shalt  }
0x41: {  	_ =	shalt  }
0x42: {  	_ =	shalt  }
0x43: {  	_ =	shalt  }
0x44: {  	_ =	shalt  }
0x45: {  	_ =	shalt  }
0x46: {  	_ =	shalt  }
0x47: {  	_ =	shalt  }
0x48: {  	_ =	shalt  }
0x49: {  	_ =	shalt  }
0x4a: {  	_ =	shalt  }
0x4b: {  	_ =	shalt  }
0x4c: {  	_ =	shalt  }
0x4d: {  	_ =	shalt  }
0x4e: {  	_ =	shalt  }
0x4f: {  	_ =	shalt  }
0x50: {  	_ =	shalt  }
0x51: {  	_ =	shalt  }
0x52: {  	_ =	shalt  }
0x53: {  	_ =	shalt  }
0x54: {  	_ =	shalt  }
0x55: {  	_ =	shalt  }
0x56: {  	_ =	shalt  }
0x57: {  	_ =	shalt  }
0x58: {  	_ =	shalt  }
0x59: {  	_ =	shalt  }
0x5a: {  	_ =	shalt  }
0x5b: {  	_ =	shalt  }
0x5c: {  	_ =	shalt  }
0x5d: {  	_ =	shalt  }
0x5e: {  	_ =	shalt  }
0x5f: {  	_ =	shalt  }
0x60: {  	_ =	shalt  }
0x61: {  	_ =	shalt  }
0x62: {  	_ =	shalt  }
0x63: {  	_ =	shalt  }
0x64: {  	_ =	shalt  }
0x65: {  	_ =	shalt  }
0x66: {  	_ =	shalt  }
0x67: {  	_ =	shalt  }
0x68: {  	_ =	shalt  }
0x69: {  	_ =	shalt  }
0x6a: {  	_ =	shalt  }
0x6b: {  	_ =	shalt  }
0x6c: {  	_ =	shalt  }
0x6d: {  	_ =	shalt  }
0x6e: {  	_ =	shalt  }
0x6f: {  	_ =	shalt  }
0x70: {  	_ =	shalt  }
0x71: {  	_ =	shalt  }
0x72: {  	_ =	shalt  }
0x73: {  	_ =	shalt  }
0x74: {  	_ =	shalt  }
0x75: {  	_ =	shalt  }
0x76: {  	_ =	shalt  }
0x77: {  	_ =	shalt  }
0x78: {  	_ =	shalt  }
0x79: {  	_ =	shalt  }
0x7a: {  	_ =	shalt  }
0x7b: {  	_ =	shalt  }
0x7c: {  	_ =	shalt  }
0x7d: {  	_ =	shalt  }
0x7e: {  	_ =	shalt  }
0x7f: {  	_ =	shalt  }
0x80: {  	_ =	shalt  }
0x81: {  	_ =	shalt  }
0x82: {  	_ =	shalt  }
0x83: {  	_ =	shalt  }
0x84: {  	_ =	shalt  }
0x85: {  	_ =	shalt  }
0x86: {  	_ =	shalt  }
0x87: {  	_ =	shalt  }
.Lfunc_end0:
.L_simem_size_0:
called_computation_lowered:
.L_overlay_start_0:
0x88: {  	s2 =	sld [smem:$0x3FD9]  }
0x89: {  	s3 =	sld [smem:$0x3FFE];
	_ =	sdelay $0x1  }
0x8a: {  	s1 =	srdreg.scid  }
0x8b: {  	s0 =	sand.u32 $0x1, s1  }
0x8c: {  	s17 =	sshll.u32 s0, $0xA;
	s2 =	sadd.s32 s3, s2  }
0x8d: {  	s2 =	sadd.s32 s2, s17  }
0x8e: {  	[smem:$0x3FC6] =	sst s2  }
0x8f: {  	_ = 	snop  }
0x90: {  	s2 =	sld [smem:$0x3FD0];
	(tm) =	ssettm $0x1  }
0x91: {  	s18 =	sld [smem:$0x3FFB];
	_ =	sdelay $0x3  }
0x92: {  	_ =	strace s18  }
0x93: {  	s3 =	sld [smem:$0x3FFC];
	_ =	sdelay $0x3  }
0x94: {  	_ =	strace s3  }
0x95: {  	s3 =	sld [smem:$0x3FFD];
	_ =	sdelay $0x3  }
0x96: {  	_ =	strace s3  }
0x97: {  	_ =	strace $0x8FFFFFFF  }
0x98: {  	s19 =	sld [smem:$0x3FDB];
	_ =	sdelay $0x1  }
0x99: {  	s4 =	simm.s32 $_scs_section_size  }
0x9a: {  	s5 =	simm.s32 $_size__tile_overlayer_lowered;
	s6 =	simm.s32 $_tile_overlayer_lowered  }
0x9b: {  	s22 =	simm.s32 $0x1BFF;
	s21 =	sshll.u32 s6, $0x1;
	s3 =	sadd.s32 s4, s19  }
0x9c: {  	s7 =	simm.s32 $0x0;
	s20 =	sshll.u32 s5, $0x1;
	s5 =	sadd.s32 s21, s3  }
0x9d: {  	[timem:s7], [sflag:s22] =	dma.local [hbm:s5], s20  }
0x9e: {  	_ =	swait.ge [sflag:s22], s20  }
0x9f: {  	s4 =	ssub.s32 $0x0, s20;
	[sflag:s22] =	ssyncset.done $0x0  }
0xa0: {  	[sflag:s22] =	ssyncadd.s32 s4;
	_ =	sdelay $0x1  }
0xa1: {  	s23 =	simm.s32 $0x1B8B  }
0xa2: {  	_ =	swait.ge [sflag:s23], $0x1  }
0xa3: {  	[sflag:s23] =	ssyncset.done $0x0  }
0xa4: {  	s25 =	simm.s32 $0x1B8E;
	s24 =	sld [smem:$0x3FFE];
	[sflag:s23] =	ssyncadd.s32 $0xFFFFFFFF  }
0xa5: {  	s26 =	simm.s32 $execute0_lowered;
	[smem:$0x3FD2] =	sst s25  }
0xa6: {  	s5 =	sshll.u32 s26, $0x1;
	_ =	strace $0x80000046;
	[dreg:$0x1] =	wrdreg $0xFFFFFFFF  }
0xa7: {  	s28 =	simm.s32 $_size_execute0_lowered;
	s3 =	sadd.s32 s3, s5;
	[dreg:$0x0] =	wrdreg $0x0  }
0xa8: {  	s5 =	sshll.u32 s28, $0x1;
	[dreg:$0x2] =	wrdreg s3  }
0xa9: {  	[dreg:$0x3] =	wrdreg s5  }
0xaa: {  	[dreg:$0x4] =	wrdreg $0xC0  }
0xab: {  	_ =	task [dreg:s7], $0x5FFFF  }
0xac: {  	[dreg:$0x1] =	wrdreg $0xFFFFFFFF  }
0xad: {  	[dreg:$0x0] =	wrdreg $0x60  }
0xae: {  	[dreg:$0x2] =	wrdreg s24  }
0xaf: {  	[dreg:$0x3] =	wrdreg s2  }
0xb0: {  	[dreg:$0x4] =	wrdreg $0x9  }
0xb1: {  	_ =	task.clear_ibuf [dreg:s7], $0x5FFFF;
	_ =	strace $0x90000046  }
0xb2: {  	s29 =	simm.s32 $0x9;
	_ =	strace $0x80000048  }
0xb3: {  	_ =	swait.ge [sflag:s29], $0x1  }
0xb4: {  	[sflag:s29] =	ssyncadd.s32 $0xFFFFFFFF  }
0xb5: {  	_ =	strace $0x90000048  }
0xb6: {  	_ =	sfence  }
0xb7: {  	s30 =	sld [smem:$0x0];
	_ =	sdelay $0x2  }
0xb8: {  	s31 =	sshll.u32 s1, $0xD;
	s1 =	sshrl.u32 s1, $0x2  }
0xb9: {  	s3 =	sand.u32 $0x4000, s31;
	s1 =	sadd.s32 s1, s30  }
0xba: {  	s0 =	sor.u32 s3, s0;
	s1 =	sshll.u32 s1, $0x11  }
0xbb: {  	s0 =	sor.u32 s1, s0  }
0xbc: {  	s0 =	sadd.s32 $0x8F2B, s0  }
0xbd: {  	[sflag:s0] =	ssyncadd.remote.s32 $0x1  }
0xbe: {  	_ =	sfence.sel $0xFFFF  }
0xbf: {  	[dreg:$0x0] =	wrdreg $0xFFFFFFFF;
	(pc) =	sbr.abs _section_cstart, $3  }
0xc0: {  	[dreg:$0x1] =	wrdreg $0xFFFFFFFF  }
0xc1: {  	_ =	task.clear_ibuf [dreg:s7], $0x2FFFF;
	_ =	strace $0x9FFFFFFF  }
0xc2: {  	(tm) =	ssettm $0x7FFFFFFF  }
0xc3: {  	_ =	shalt  }
tec
execute0_lowered:
.L_overlay_start_1:
0x0: {  	(tag) =	ssettag $0x1  }
0x1: {  	s1 =	srdreg.scid;
	s2 =	stileid.u32  }
0x2: {  	s0 =	rddreg [dreg:$0x0];
	s1 =	sand.u32 $0x1, s1;
	s3 =	sshll.u32 s2, $0x1  }
0x3: {  	s4 =	rddreg [dreg:$0x1];
	s28 =	simm.s32 $0xFA;
	s5 =	sor.u32 s1, s3  }
0x4: {  	s29 =	simm.s32 $0x1400;
	s30 =	simm.s32 $0x1;
	s6 =	smul.u32 $0x280, s5  }
0x5: {  	s31 =	simm.s32 $0x2;
	s2 =	simm.s32 $0x0;
	s7 =	smul.u32 $0x9C400, s5  }
0x6: {  	[smem:$0x7FF] =	sst s2;
	s1 =	ssub.s32 $0x2, s1;
	s5 =	smul.u32 $0x13880, s5  }
0x7: {  	s3 =	sadd.s32 $0x5400, s0;
	_ =	strace $0x80000047;
	s8 =	sshrl.u32 s1, $0x1  }
0x8: {  	s1 =	ssub.s32 s1, s8;
	s0 =	sadd.s32 s6, s0;
	s23 =	sadd.s32 s4, s5  }
0x9: {  	s22 =	sshrl.u32 s7, $0x3;
	s0 =	sadd.s32 $0x400, s0;
	[dreg:$0x4] =	wrdreg s23  }
0xa: {  	s5 =	simm.s32 $0x0;
	s24 =	sadd.s32 s4, s22;
	[dreg:$0x3] =	wrdreg s0  }
0xb: {  	s4 =	sadd.s32 $0xFA0, s24;
	s25 =	sadd.s32 $0x1F40, s24;
	s26 =	sadd.s32 $0x2EE0, s24  }
0xc: {  	s9 =	sadd.s32 $0x3E80, s24;
	s10 =	sadd.s32 $0x4E20, s24;
	s11 =	sadd.s32 $0x5DC0, s24  }
0xd: {  	s12 =	sadd.s32 $0x6D60, s24;
	s13 =	sadd.s32 $0x7D00, s24;
	s14 =	sadd.s32 $0x8CA0, s24  }
0xe: {  	s15 =	sadd.s32 $0x9C40, s24;
	s16 =	sadd.s32 $0xABE0, s24;
	s17 =	sadd.s32 $0xBB80, s24  }
0xf: {  	s18 =	sadd.s32 $0xCB20, s24;
	s19 =	sadd.s32 $0xDAC0, s24;
	s20 =	sadd.s32 $0xEA60, s24  }
0x10: {  	s21 =	sadd.s32 $0xFA00, s24;
	s22 =	sadd.s32 $0x109A0, s24;
	[dreg:$0x5] =	wrdreg s4  }
0x11: {  	s23 =	sadd.s32 $0x11940, s24;
	s24 =	sadd.s32 $0x128E0, s24;
	[dreg:$0x6] =	wrdreg s25  }
0x12: {  	s0 =	simm.s32 $0x3340;
	[dreg:$0x7] =	wrdreg s26;
	s25 =	smax.u32 s1, $0x1  }
0x13: {  	s26 =	simm.s32 $0x3;
	s1 =	simm.s32 $0x23A0;
	s4 =	simm.s32 $0xB040  }
.LBB2_1:
0x14: {  	s6 =	rddreg [dreg:$0x3]  }
0x15: {  	[tilespmem:s2], [sflag:$0x3] =	stream.linear.gather [hbm4b:s6+s2], $0x1400, $0x38;
	[tilespmem:$0x12D40] =	vst v63  }
0x16: {  	_ =	swait.ge [sflag:s26], $0x1400  }
0x17: {  	[sflag:s26] =	ssyncset.done $0x0  }
0x18: {  	[sflag:s26] =	ssyncadd.s32 $0xFFFFEC00  }
0x19: {  	[tilespmem:s29], [sflag:$0x1] =	stream.indirect.gather [hbm4b:s3+s28], $0x10, s2, s28, $0xb8;
	[tilespmem:$0x12D40] =	vst v63  }
0x1a: {  	_ =	swait.ge [sflag:s30], $0xFA0  }
0x1b: {  	[sflag:s30] =	ssyncset.done $0x0  }
0x1c: {  	s8 =	simm.s32 $0x100;
	s7 =	simm.s32 $0x0;
	[sflag:s30] =	ssyncadd.s32 $0xFFFFF060  }
0x1d: {  	[tilespmem:s1], [sflag:$0x1] =	stream.indirect.gather [hbm4b:s3+s28], $0x10, s8, s28, $0xb8;
	[tilespmem:$0x12D40] =	vst v63  }
0x1e: {  	v0 =	vld [tilespmem:s7+$0x1400];
	_ =	sdelay $0x3  }
0x1f: {  	s6 =	simm.s32 $0x40;
	s7 =	simm.s32 $0x3340  }
.LBB2_2:
0x20: {  	s8 =	sshra.s32 s6, $0x2;
	p0 =	sne.s32 s6, $0x3E40;
	s6 =	sadd.s32 $0x40, s6;
	[tilespmem:s7+$0x0] =	vst v0  }
.Ltmp0:
0x21: {  	v0 =	vld [tilespmem:s8+$0x1400];
	(pc) =	sbr.rel @p0 .LBB2_2-.Ltmp0, $2  }
0x22: {  	_ =	sdelay $0x2  }
0x23: {  	s7 =	sadd.s32 $0x80, s7  }
0x24: {  	[tilespmem:s7+$0x0] =	vst v0;
	s6 =	simm.s32 $0x0;
	s8 =	rddreg [dreg:$0x4]  }
0x25: {  	[hbm4b:s8+s6] =	stream.linear.scatter [tilespmem:s0], [sflag:$0x2], $0x7D00, $0x38;
	[tilespmem:$0x12D40] =	vst v63  }
0x26: {  	_ =	swait.ge [sflag:s30], $0xFA0  }
0x27: {  	[sflag:s30] =	ssyncset.done $0x0  }
0x28: {  	[sflag:s30] =	ssyncadd.s32 $0xFFFFF060  }
0x29: {  	_ =	swait.ge [sflag:s31], $0x7D00  }
0x2a: {  	[sflag:s31] =	ssyncset.done $0x0  }
0x2b: {  	s8 =	simm.s32 $0x200;
	[sflag:s31] =	ssyncadd.s32 $0xFFFF8300  }
0x2c: {  	[tilespmem:s29], [sflag:$0x1] =	stream.indirect.gather [hbm4b:s3+s28], $0x10, s8, s28, $0xb8;
	[tilespmem:$0x12D40] =	vst v63  }
0x2d: {  	s8 =	simm.s32 $0x0  }
0x2e: {  	v0 =	vld [tilespmem:s8+$0x23A0];
	_ =	sdelay $0x3  }
0x2f: {  	s7 =	simm.s32 $0x40;
	s6 =	simm.s32 $0xB040  }
.LBB2_4:
0x30: {  	s8 =	sshra.s32 s7, $0x2;
	p0 =	sne.s32 s7, $0x3E40;
	s7 =	sadd.s32 $0x40, s7;
	[tilespmem:s6+$0x0] =	vst v0  }
.Ltmp1:
0x31: {  	v0 =	vld [tilespmem:s8+$0x23A0];
	(pc) =	sbr.rel @p0 .LBB2_4-.Ltmp1, $2  }
0x32: {  	_ =	sdelay $0x2  }
0x33: {  	s6 =	sadd.s32 $0x80, s6  }
0x34: {  	[tilespmem:s6+$0x0] =	vst v0;
	s8 =	simm.s32 $0x0;
	s7 =	rddreg [dreg:$0x5]  }
0x35: {  	[hbm4b:s7+s8] =	stream.linear.scatter [tilespmem:s4], [sflag:$0x2], $0x7D00, $0x38;
	[tilespmem:$0x12D40] =	vst v63  }
0x36: {  	_ =	swait.ge [sflag:s30], $0xFA0  }
0x37: {  	[sflag:s30] =	ssyncset.done $0x0  }
0x38: {  	[sflag:s30] =	ssyncadd.s32 $0xFFFFF060  }
0x39: {  	_ =	swait.ge [sflag:s31], $0x7D00  }
0x3a: {  	[sflag:s31] =	ssyncset.done $0x0  }
0x3b: {  	s8 =	simm.s32 $0x300;
	[sflag:s31] =	ssyncadd.s32 $0xFFFF8300  }
0x3c: {  	[tilespmem:s1], [sflag:$0x1] =	stream.indirect.gather [hbm4b:s3+s28], $0x10, s8, s28, $0xb8;
	[tilespmem:$0x12D40] =	vst v63  }
0x3d: {  	s8 =	simm.s32 $0x0  }
0x3e: {  	v0 =	vld [tilespmem:s8+$0x1400];
	_ =	sdelay $0x3  }
0x3f: {  	s6 =	simm.s32 $0x3340;
	s7 =	simm.s32 $0x40  }
.LBB2_6:
0x40: {  	s8 =	sshra.s32 s7, $0x2;
	p0 =	sne.s32 s7, $0x3E40;
	s7 =	sadd.s32 $0x40, s7;
	[tilespmem:s6+$0x0] =	vst v0  }
.Ltmp2:
0x41: {  	v0 =	vld [tilespmem:s8+$0x1400];
	(pc) =	sbr.rel @p0 .LBB2_6-.Ltmp2, $2  }
0x42: {  	_ =	sdelay $0x2  }
0x43: {  	s6 =	sadd.s32 $0x80, s6  }
0x44: {  	[tilespmem:s6+$0x0] =	vst v0;
	s8 =	simm.s32 $0x0;
	s7 =	rddreg [dreg:$0x6]  }
0x45: {  	[hbm4b:s7+s8] =	stream.linear.scatter [tilespmem:s0], [sflag:$0x2], $0x7D00, $0x38;
	[tilespmem:$0x12D40] =	vst v63  }
0x46: {  	_ =	swait.ge [sflag:s30], $0xFA0  }
0x47: {  	[sflag:s30] =	ssyncset.done $0x0  }
0x48: {  	[sflag:s30] =	ssyncadd.s32 $0xFFFFF060  }
0x49: {  	_ =	swait.ge [sflag:s31], $0x7D00  }
0x4a: {  	[sflag:s31] =	ssyncset.done $0x0  }
0x4b: {  	s8 =	simm.s32 $0x400;
	[sflag:s31] =	ssyncadd.s32 $0xFFFF8300  }
0x4c: {  	[tilespmem:s29], [sflag:$0x1] =	stream.indirect.gather [hbm4b:s3+s28], $0x10, s8, s28, $0xb8;
	[tilespmem:$0x12D40] =	vst v63  }
0x4d: {  	s8 =	simm.s32 $0x0  }
0x4e: {  	v0 =	vld [tilespmem:s8+$0x23A0];
	_ =	sdelay $0x3  }
0x4f: {  	s6 =	simm.s32 $0xB040;
	s7 =	simm.s32 $0x40  }
.LBB2_8:
0x50: {  	s8 =	sshra.s32 s7, $0x2;
	p0 =	sne.s32 s7, $0x3E40;
	s7 =	sadd.s32 $0x40, s7;
	[tilespmem:s6+$0x0] =	vst v0  }
.Ltmp3:
0x51: {  	v0 =	vld [tilespmem:s8+$0x23A0];
	(pc) =	sbr.rel @p0 .LBB2_8-.Ltmp3, $2  }
0x52: {  	_ =	sdelay $0x2  }
0x53: {  	s6 =	sadd.s32 $0x80, s6  }
0x54: {  	[tilespmem:s6+$0x0] =	vst v0;
	s8 =	simm.s32 $0x0;
	s7 =	rddreg [dreg:$0x7]  }
0x55: {  	[hbm4b:s7+s8] =	stream.linear.scatter [tilespmem:s4], [sflag:$0x2], $0x7D00, $0x38;
	[tilespmem:$0x12D40] =	vst v63  }
0x56: {  	_ =	swait.ge [sflag:s30], $0xFA0  }
0x57: {  	[sflag:s30] =	ssyncset.done $0x0  }
0x58: {  	[sflag:s30] =	ssyncadd.s32 $0xFFFFF060  }
0x59: {  	_ =	swait.ge [sflag:s31], $0x7D00  }
0x5a: {  	[sflag:s31] =	ssyncset.done $0x0  }
0x5b: {  	s8 =	simm.s32 $0x500;
	[sflag:s31] =	ssyncadd.s32 $0xFFFF8300  }
0x5c: {  	[tilespmem:s1], [sflag:$0x1] =	stream.indirect.gather [hbm4b:s3+s28], $0x10, s8, s28, $0xb8;
	[tilespmem:$0x12D40] =	vst v63  }
0x5d: {  	s8 =	simm.s32 $0x0  }
0x5e: {  	v0 =	vld [tilespmem:s8+$0x1400];
	_ =	sdelay $0x3  }
0x5f: {  	s6 =	simm.s32 $0x3340;
	s7 =	simm.s32 $0x40  }
.LBB2_10:
0x60: {  	s8 =	sshra.s32 s7, $0x2;
	p0 =	sne.s32 s7, $0x3E40;
	s7 =	sadd.s32 $0x40, s7;
	[tilespmem:s6+$0x0] =	vst v0  }
.Ltmp4:
0x61: {  	v0 =	vld [tilespmem:s8+$0x1400];
	(pc) =	sbr.rel @p0 .LBB2_10-.Ltmp4, $2  }
0x62: {  	_ =	sdelay $0x2  }
0x63: {  	s6 =	sadd.s32 $0x80, s6  }
0x64: {  	[tilespmem:s6+$0x0] =	vst v0;
	s7 =	simm.s32 $0x0  }
0x65: {  	[hbm4b:s9+s7] =	stream.linear.scatter [tilespmem:s0], [sflag:$0x2], $0x7D00, $0x38;
	[tilespmem:$0x12D40] =	vst v63  }
0x66: {  	_ =	swait.ge [sflag:s30], $0xFA0  }
0x67: {  	[sflag:s30] =	ssyncset.done $0x0  }
0x68: {  	[sflag:s30] =	ssyncadd.s32 $0xFFFFF060  }
0x69: {  	_ =	swait.ge [sflag:s31], $0x7D00  }
0x6a: {  	[sflag:s31] =	ssyncset.done $0x0  }
0x6b: {  	s8 =	simm.s32 $0x600;
	[sflag:s31] =	ssyncadd.s32 $0xFFFF8300  }
0x6c: {  	[tilespmem:s29], [sflag:$0x1] =	stream.indirect.gather [hbm4b:s3+s28], $0x10, s8, s28, $0xb8;
	[tilespmem:$0x12D40] =	vst v63  }
0x6d: {  	s8 =	simm.s32 $0x0  }
0x6e: {  	v0 =	vld [tilespmem:s8+$0x23A0];
	_ =	sdelay $0x3  }
0x6f: {  	s6 =	simm.s32 $0xB040;
	s7 =	simm.s32 $0x40  }
.LBB2_12:
0x70: {  	s8 =	sshra.s32 s7, $0x2;
	p0 =	sne.s32 s7, $0x3E40;
	s7 =	sadd.s32 $0x40, s7;
	[tilespmem:s6+$0x0] =	vst v0  }
.Ltmp5:
0x71: {  	v0 =	vld [tilespmem:s8+$0x23A0];
	(pc) =	sbr.rel @p0 .LBB2_12-.Ltmp5, $2  }
0x72: {  	_ =	sdelay $0x2  }
0x73: {  	s6 =	sadd.s32 $0x80, s6  }
0x74: {  	[tilespmem:s6+$0x0] =	vst v0;
	s7 =	simm.s32 $0x0  }
0x75: {  	[hbm4b:s10+s7] =	stream.linear.scatter [tilespmem:s4], [sflag:$0x2], $0x7D00, $0x38;
	[tilespmem:$0x12D40] =	vst v63  }
0x76: {  	_ =	swait.ge [sflag:s30], $0xFA0  }
0x77: {  	[sflag:s30] =	ssyncset.done $0x0  }
0x78: {  	[sflag:s30] =	ssyncadd.s32 $0xFFFFF060  }
0x79: {  	_ =	swait.ge [sflag:s31], $0x7D00  }
0x7a: {  	[sflag:s31] =	ssyncset.done $0x0  }
0x7b: {  	s8 =	simm.s32 $0x700;
	[sflag:s31] =	ssyncadd.s32 $0xFFFF8300  }
0x7c: {  	[tilespmem:s1], [sflag:$0x1] =	stream.indirect.gather [hbm4b:s3+s28], $0x10, s8, s28, $0xb8;
	[tilespmem:$0x12D40] =	vst v63  }
0x7d: {  	s8 =	simm.s32 $0x0  }
0x7e: {  	v0 =	vld [tilespmem:s8+$0x1400];
	_ =	sdelay $0x3  }
0x7f: {  	s6 =	simm.s32 $0x3340;
	s7 =	simm.s32 $0x40  }
.LBB2_14:
0x80: {  	s8 =	sshra.s32 s7, $0x2;
	p0 =	sne.s32 s7, $0x3E40;
	s7 =	sadd.s32 $0x40, s7;
	[tilespmem:s6+$0x0] =	vst v0  }
.Ltmp6:
0x81: {  	v0 =	vld [tilespmem:s8+$0x1400];
	(pc) =	sbr.rel @p0 .LBB2_14-.Ltmp6, $2  }
0x82: {  	_ =	sdelay $0x2  }
0x83: {  	s6 =	sadd.s32 $0x80, s6  }
0x84: {  	[tilespmem:s6+$0x0] =	vst v0;
	s7 =	simm.s32 $0x0  }
0x85: {  	[hbm4b:s11+s7] =	stream.linear.scatter [tilespmem:s0], [sflag:$0x2], $0x7D00, $0x38;
	[tilespmem:$0x12D40] =	vst v63  }
0x86: {  	_ =	swait.ge [sflag:s30], $0xFA0  }
0x87: {  	[sflag:s30] =	ssyncset.done $0x0  }
0x88: {  	[sflag:s30] =	ssyncadd.s32 $0xFFFFF060  }
0x89: {  	_ =	swait.ge [sflag:s31], $0x7D00  }
0x8a: {  	[sflag:s31] =	ssyncset.done $0x0  }
0x8b: {  	s8 =	simm.s32 $0x800;
	[sflag:s31] =	ssyncadd.s32 $0xFFFF8300  }
0x8c: {  	[tilespmem:s29], [sflag:$0x1] =	stream.indirect.gather [hbm4b:s3+s28], $0x10, s8, s28, $0xb8;
	[tilespmem:$0x12D40] =	vst v63  }
0x8d: {  	s8 =	simm.s32 $0x0  }
0x8e: {  	v0 =	vld [tilespmem:s8+$0x23A0];
	_ =	sdelay $0x3  }
0x8f: {  	s6 =	simm.s32 $0xB040;
	s7 =	simm.s32 $0x40  }
.LBB2_16:
0x90: {  	s8 =	sshra.s32 s7, $0x2;
	p0 =	sne.s32 s7, $0x3E40;
	s7 =	sadd.s32 $0x40, s7;
	[tilespmem:s6+$0x0] =	vst v0  }
.Ltmp7:
0x91: {  	v0 =	vld [tilespmem:s8+$0x23A0];
	(pc) =	sbr.rel @p0 .LBB2_16-.Ltmp7, $2  }
0x92: {  	_ =	sdelay $0x2  }
0x93: {  	s6 =	sadd.s32 $0x80, s6  }
0x94: {  	[tilespmem:s6+$0x0] =	vst v0;
	s7 =	simm.s32 $0x0  }
0x95: {  	[hbm4b:s12+s7] =	stream.linear.scatter [tilespmem:s4], [sflag:$0x2], $0x7D00, $0x38;
	[tilespmem:$0x12D40] =	vst v63  }
0x96: {  	_ =	swait.ge [sflag:s30], $0xFA0  }
0x97: {  	[sflag:s30] =	ssyncset.done $0x0  }
0x98: {  	[sflag:s30] =	ssyncadd.s32 $0xFFFFF060  }
0x99: {  	_ =	swait.ge [sflag:s31], $0x7D00  }
0x9a: {  	[sflag:s31] =	ssyncset.done $0x0  }
0x9b: {  	s8 =	simm.s32 $0x900;
	[sflag:s31] =	ssyncadd.s32 $0xFFFF8300  }
0x9c: {  	[tilespmem:s1], [sflag:$0x1] =	stream.indirect.gather [hbm4b:s3+s28], $0x10, s8, s28, $0xb8;
	[tilespmem:$0x12D40] =	vst v63  }
0x9d: {  	s8 =	simm.s32 $0x0  }
0x9e: {  	v0 =	vld [tilespmem:s8+$0x1400];
	_ =	sdelay $0x3  }
0x9f: {  	s6 =	simm.s32 $0x3340;
	s7 =	simm.s32 $0x40  }
.LBB2_18:
0xa0: {  	s8 =	sshra.s32 s7, $0x2;
	p0 =	sne.s32 s7, $0x3E40;
	s7 =	sadd.s32 $0x40, s7;
	[tilespmem:s6+$0x0] =	vst v0  }
.Ltmp8:
0xa1: {  	v0 =	vld [tilespmem:s8+$0x1400];
	(pc) =	sbr.rel @p0 .LBB2_18-.Ltmp8, $2  }
0xa2: {  	_ =	sdelay $0x2  }
0xa3: {  	s6 =	sadd.s32 $0x80, s6  }
0xa4: {  	[tilespmem:s6+$0x0] =	vst v0;
	s7 =	simm.s32 $0x0  }
0xa5: {  	[hbm4b:s13+s7] =	stream.linear.scatter [tilespmem:s0], [sflag:$0x2], $0x7D00, $0x38;
	[tilespmem:$0x12D40] =	vst v63  }
0xa6: {  	_ =	swait.ge [sflag:s30], $0xFA0  }
0xa7: {  	[sflag:s30] =	ssyncset.done $0x0  }
0xa8: {  	[sflag:s30] =	ssyncadd.s32 $0xFFFFF060  }
0xa9: {  	_ =	swait.ge [sflag:s31], $0x7D00  }
0xaa: {  	[sflag:s31] =	ssyncset.done $0x0  }
0xab: {  	s8 =	simm.s32 $0xA00;
	[sflag:s31] =	ssyncadd.s32 $0xFFFF8300  }
0xac: {  	[tilespmem:s29], [sflag:$0x1] =	stream.indirect.gather [hbm4b:s3+s28], $0x10, s8, s28, $0xb8;
	[tilespmem:$0x12D40] =	vst v63  }
0xad: {  	s8 =	simm.s32 $0x0  }
0xae: {  	v0 =	vld [tilespmem:s8+$0x23A0];
	_ =	sdelay $0x3  }
0xaf: {  	s6 =	simm.s32 $0xB040;
	s7 =	simm.s32 $0x40  }
.LBB2_20:
0xb0: {  	s8 =	sshra.s32 s7, $0x2;
	p0 =	sne.s32 s7, $0x3E40;
	s7 =	sadd.s32 $0x40, s7;
	[tilespmem:s6+$0x0] =	vst v0  }
.Ltmp9:
0xb1: {  	v0 =	vld [tilespmem:s8+$0x23A0];
	(pc) =	sbr.rel @p0 .LBB2_20-.Ltmp9, $2  }
0xb2: {  	_ =	sdelay $0x2  }
0xb3: {  	s6 =	sadd.s32 $0x80, s6  }
0xb4: {  	[tilespmem:s6+$0x0] =	vst v0;
	s7 =	simm.s32 $0x0  }
0xb5: {  	[hbm4b:s14+s7] =	stream.linear.scatter [tilespmem:s4], [sflag:$0x2], $0x7D00, $0x38;
	[tilespmem:$0x12D40] =	vst v63  }
0xb6: {  	_ =	swait.ge [sflag:s30], $0xFA0  }
0xb7: {  	[sflag:s30] =	ssyncset.done $0x0  }
0xb8: {  	[sflag:s30] =	ssyncadd.s32 $0xFFFFF060  }
0xb9: {  	_ =	swait.ge [sflag:s31], $0x7D00  }
0xba: {  	[sflag:s31] =	ssyncset.done $0x0  }
0xbb: {  	s8 =	simm.s32 $0xB00;
	[sflag:s31] =	ssyncadd.s32 $0xFFFF8300  }
0xbc: {  	[tilespmem:s1], [sflag:$0x1] =	stream.indirect.gather [hbm4b:s3+s28], $0x10, s8, s28, $0xb8;
	[tilespmem:$0x12D40] =	vst v63  }
0xbd: {  	s8 =	simm.s32 $0x0  }
0xbe: {  	v0 =	vld [tilespmem:s8+$0x1400];
	_ =	sdelay $0x3  }
0xbf: {  	s6 =	simm.s32 $0x3340;
	s7 =	simm.s32 $0x40  }
.LBB2_22:
0xc0: {  	s8 =	sshra.s32 s7, $0x2;
	p0 =	sne.s32 s7, $0x3E40;
	s7 =	sadd.s32 $0x40, s7;
	[tilespmem:s6+$0x0] =	vst v0  }
.Ltmp10:
0xc1: {  	v0 =	vld [tilespmem:s8+$0x1400];
	(pc) =	sbr.rel @p0 .LBB2_22-.Ltmp10, $2  }
0xc2: {  	_ =	sdelay $0x2  }
0xc3: {  	s6 =	sadd.s32 $0x80, s6  }
0xc4: {  	[tilespmem:s6+$0x0] =	vst v0;
	s7 =	simm.s32 $0x0  }
0xc5: {  	[hbm4b:s15+s7] =	stream.linear.scatter [tilespmem:s0], [sflag:$0x2], $0x7D00, $0x38;
	[tilespmem:$0x12D40] =	vst v63  }
0xc6: {  	_ =	swait.ge [sflag:s30], $0xFA0  }
0xc7: {  	[sflag:s30] =	ssyncset.done $0x0  }
0xc8: {  	[sflag:s30] =	ssyncadd.s32 $0xFFFFF060  }
0xc9: {  	_ =	swait.ge [sflag:s31], $0x7D00  }
0xca: {  	[sflag:s31] =	ssyncset.done $0x0  }
0xcb: {  	s8 =	simm.s32 $0xC00;
	[sflag:s31] =	ssyncadd.s32 $0xFFFF8300  }
0xcc: {  	[tilespmem:s29], [sflag:$0x1] =	stream.indirect.gather [hbm4b:s3+s28], $0x10, s8, s28, $0xb8;
	[tilespmem:$0x12D40] =	vst v63  }
0xcd: {  	s8 =	simm.s32 $0x0  }
0xce: {  	v0 =	vld [tilespmem:s8+$0x23A0];
	_ =	sdelay $0x3  }
0xcf: {  	s6 =	simm.s32 $0xB040;
	s7 =	simm.s32 $0x40  }
.LBB2_24:
0xd0: {  	s8 =	sshra.s32 s7, $0x2;
	p0 =	sne.s32 s7, $0x3E40;
	s7 =	sadd.s32 $0x40, s7;
	[tilespmem:s6+$0x0] =	vst v0  }
.Ltmp11:
0xd1: {  	v0 =	vld [tilespmem:s8+$0x23A0];
	(pc) =	sbr.rel @p0 .LBB2_24-.Ltmp11, $2  }
0xd2: {  	_ =	sdelay $0x2  }
0xd3: {  	s6 =	sadd.s32 $0x80, s6  }
0xd4: {  	[tilespmem:s6+$0x0] =	vst v0;
	s7 =	simm.s32 $0x0  }
0xd5: {  	[hbm4b:s16+s7] =	stream.linear.scatter [tilespmem:s4], [sflag:$0x2], $0x7D00, $0x38;
	[tilespmem:$0x12D40] =	vst v63  }
0xd6: {  	_ =	swait.ge [sflag:s30], $0xFA0  }
0xd7: {  	[sflag:s30] =	ssyncset.done $0x0  }
0xd8: {  	[sflag:s30] =	ssyncadd.s32 $0xFFFFF060  }
0xd9: {  	_ =	swait.ge [sflag:s31], $0x7D00  }
0xda: {  	[sflag:s31] =	ssyncset.done $0x0  }
0xdb: {  	s8 =	simm.s32 $0xD00;
	[sflag:s31] =	ssyncadd.s32 $0xFFFF8300  }
0xdc: {  	[tilespmem:s1], [sflag:$0x1] =	stream.indirect.gather [hbm4b:s3+s28], $0x10, s8, s28, $0xb8;
	[tilespmem:$0x12D40] =	vst v63  }
0xdd: {  	s8 =	simm.s32 $0x0  }
0xde: {  	v0 =	vld [tilespmem:s8+$0x1400];
	_ =	sdelay $0x3  }
0xdf: {  	s6 =	simm.s32 $0x3340;
	s7 =	simm.s32 $0x40  }
.LBB2_26:
0xe0: {  	s8 =	sshra.s32 s7, $0x2;
	p0 =	sne.s32 s7, $0x3E40;
	s7 =	sadd.s32 $0x40, s7;
	[tilespmem:s6+$0x0] =	vst v0  }
.Ltmp12:
0xe1: {  	v0 =	vld [tilespmem:s8+$0x1400];
	(pc) =	sbr.rel @p0 .LBB2_26-.Ltmp12, $2  }
0xe2: {  	_ =	sdelay $0x2  }
0xe3: {  	s6 =	sadd.s32 $0x80, s6  }
0xe4: {  	[tilespmem:s6+$0x0] =	vst v0;
	s7 =	simm.s32 $0x0  }
0xe5: {  	[hbm4b:s17+s7] =	stream.linear.scatter [tilespmem:s0], [sflag:$0x2], $0x7D00, $0x38;
	[tilespmem:$0x12D40] =	vst v63  }
0xe6: {  	_ =	swait.ge [sflag:s30], $0xFA0  }
0xe7: {  	[sflag:s30] =	ssyncset.done $0x0  }
0xe8: {  	[sflag:s30] =	ssyncadd.s32 $0xFFFFF060  }
0xe9: {  	_ =	swait.ge [sflag:s31], $0x7D00  }
0xea: {  	[sflag:s31] =	ssyncset.done $0x0  }
0xeb: {  	s8 =	simm.s32 $0xE00;
	[sflag:s31] =	ssyncadd.s32 $0xFFFF8300  }
0xec: {  	[tilespmem:s29], [sflag:$0x1] =	stream.indirect.gather [hbm4b:s3+s28], $0x10, s8, s28, $0xb8;
	[tilespmem:$0x12D40] =	vst v63  }
0xed: {  	s8 =	simm.s32 $0x0  }
0xee: {  	v0 =	vld [tilespmem:s8+$0x23A0];
	_ =	sdelay $0x3  }
0xef: {  	s6 =	simm.s32 $0xB040;
	s7 =	simm.s32 $0x40  }
.LBB2_28:
0xf0: {  	s8 =	sshra.s32 s7, $0x2;
	p0 =	sne.s32 s7, $0x3E40;
	s7 =	sadd.s32 $0x40, s7;
	[tilespmem:s6+$0x0] =	vst v0  }
.Ltmp13:
0xf1: {  	v0 =	vld [tilespmem:s8+$0x23A0];
	(pc) =	sbr.rel @p0 .LBB2_28-.Ltmp13, $2  }
0xf2: {  	_ =	sdelay $0x2  }
0xf3: {  	s6 =	sadd.s32 $0x80, s6  }
0xf4: {  	[tilespmem:s6+$0x0] =	vst v0;
	s7 =	simm.s32 $0x0  }
0xf5: {  	[hbm4b:s18+s7] =	stream.linear.scatter [tilespmem:s4], [sflag:$0x2], $0x7D00, $0x38;
	[tilespmem:$0x12D40] =	vst v63  }
0xf6: {  	_ =	swait.ge [sflag:s30], $0xFA0  }
0xf7: {  	[sflag:s30] =	ssyncset.done $0x0  }
0xf8: {  	[sflag:s30] =	ssyncadd.s32 $0xFFFFF060  }
0xf9: {  	_ =	swait.ge [sflag:s31], $0x7D00  }
0xfa: {  	[sflag:s31] =	ssyncset.done $0x0  }
0xfb: {  	s8 =	simm.s32 $0xF00;
	[sflag:s31] =	ssyncadd.s32 $0xFFFF8300  }
0xfc: {  	[tilespmem:s1], [sflag:$0x1] =	stream.indirect.gather [hbm4b:s3+s28], $0x10, s8, s28, $0xb8;
	[tilespmem:$0x12D40] =	vst v63  }
0xfd: {  	s8 =	simm.s32 $0x0  }
0xfe: {  	v0 =	vld [tilespmem:s8+$0x1400];
	_ =	sdelay $0x3  }
0xff: {  	s6 =	simm.s32 $0x3340;
	s7 =	simm.s32 $0x40  }
.LBB2_30:
0x100: {  	s8 =	sshra.s32 s7, $0x2;
	p0 =	sne.s32 s7, $0x3E40;
	s7 =	sadd.s32 $0x40, s7;
	[tilespmem:s6+$0x0] =	vst v0  }
.Ltmp14:
0x101: {  	v0 =	vld [tilespmem:s8+$0x1400];
	(pc) =	sbr.rel @p0 .LBB2_30-.Ltmp14, $2  }
0x102: {  	_ =	sdelay $0x2  }
0x103: {  	s6 =	sadd.s32 $0x80, s6  }
0x104: {  	[tilespmem:s6+$0x0] =	vst v0;
	s7 =	simm.s32 $0x0  }
0x105: {  	[hbm4b:s19+s7] =	stream.linear.scatter [tilespmem:s0], [sflag:$0x2], $0x7D00, $0x38;
	[tilespmem:$0x12D40] =	vst v63  }
0x106: {  	_ =	swait.ge [sflag:s30], $0xFA0  }
0x107: {  	[sflag:s30] =	ssyncset.done $0x0  }
0x108: {  	[sflag:s30] =	ssyncadd.s32 $0xFFFFF060  }
0x109: {  	_ =	swait.ge [sflag:s31], $0x7D00  }
0x10a: {  	[sflag:s31] =	ssyncset.done $0x0  }
0x10b: {  	s8 =	simm.s32 $0x1000;
	[sflag:s31] =	ssyncadd.s32 $0xFFFF8300  }
0x10c: {  	[tilespmem:s29], [sflag:$0x1] =	stream.indirect.gather [hbm4b:s3+s28], $0x10, s8, s28, $0xb8;
	[tilespmem:$0x12D40] =	vst v63  }
0x10d: {  	s8 =	simm.s32 $0x0  }
0x10e: {  	v0 =	vld [tilespmem:s8+$0x23A0];
	_ =	sdelay $0x3  }
0x10f: {  	s6 =	simm.s32 $0xB040;
	s7 =	simm.s32 $0x40  }
.LBB2_32:
0x110: {  	s8 =	sshra.s32 s7, $0x2;
	p0 =	sne.s32 s7, $0x3E40;
	s7 =	sadd.s32 $0x40, s7;
	[tilespmem:s6+$0x0] =	vst v0  }
.Ltmp15:
0x111: {  	v0 =	vld [tilespmem:s8+$0x23A0];
	(pc) =	sbr.rel @p0 .LBB2_32-.Ltmp15, $2  }
0x112: {  	_ =	sdelay $0x2  }
0x113: {  	s6 =	sadd.s32 $0x80, s6  }
0x114: {  	[tilespmem:s6+$0x0] =	vst v0;
	s7 =	simm.s32 $0x0  }
0x115: {  	[hbm4b:s20+s7] =	stream.linear.scatter [tilespmem:s4], [sflag:$0x2], $0x7D00, $0x38;
	[tilespmem:$0x12D40] =	vst v63  }
0x116: {  	_ =	swait.ge [sflag:s30], $0xFA0  }
0x117: {  	[sflag:s30] =	ssyncset.done $0x0  }
0x118: {  	[sflag:s30] =	ssyncadd.s32 $0xFFFFF060  }
0x119: {  	_ =	swait.ge [sflag:s31], $0x7D00  }
0x11a: {  	[sflag:s31] =	ssyncset.done $0x0  }
0x11b: {  	s8 =	simm.s32 $0x1100;
	[sflag:s31] =	ssyncadd.s32 $0xFFFF8300  }
0x11c: {  	[tilespmem:s1], [sflag:$0x1] =	stream.indirect.gather [hbm4b:s3+s28], $0x10, s8, s28, $0xb8;
	[tilespmem:$0x12D40] =	vst v63  }
0x11d: {  	s8 =	simm.s32 $0x0  }
0x11e: {  	v0 =	vld [tilespmem:s8+$0x1400];
	_ =	sdelay $0x3  }
0x11f: {  	s6 =	simm.s32 $0x3340;
	s7 =	simm.s32 $0x40  }
.LBB2_34:
0x120: {  	s8 =	sshra.s32 s7, $0x2;
	p0 =	sne.s32 s7, $0x3E40;
	s7 =	sadd.s32 $0x40, s7;
	[tilespmem:s6+$0x0] =	vst v0  }
.Ltmp16:
0x121: {  	v0 =	vld [tilespmem:s8+$0x1400];
	(pc) =	sbr.rel @p0 .LBB2_34-.Ltmp16, $2  }
0x122: {  	_ =	sdelay $0x2  }
0x123: {  	s6 =	sadd.s32 $0x80, s6  }
0x124: {  	[tilespmem:s6+$0x0] =	vst v0;
	s7 =	simm.s32 $0x0  }
0x125: {  	[hbm4b:s21+s7] =	stream.linear.scatter [tilespmem:s0], [sflag:$0x2], $0x7D00, $0x38;
	[tilespmem:$0x12D40] =	vst v63  }
0x126: {  	_ =	swait.ge [sflag:s30], $0xFA0  }
0x127: {  	[sflag:s30] =	ssyncset.done $0x0  }
0x128: {  	[sflag:s30] =	ssyncadd.s32 $0xFFFFF060  }
0x129: {  	_ =	swait.ge [sflag:s31], $0x7D00  }
0x12a: {  	[sflag:s31] =	ssyncset.done $0x0  }
0x12b: {  	s8 =	simm.s32 $0x1200;
	[sflag:s31] =	ssyncadd.s32 $0xFFFF8300  }
0x12c: {  	[tilespmem:s29], [sflag:$0x1] =	stream.indirect.gather [hbm4b:s3+s28], $0x10, s8, s28, $0xb8;
	[tilespmem:$0x12D40] =	vst v63  }
0x12d: {  	s8 =	simm.s32 $0x0  }
0x12e: {  	v0 =	vld [tilespmem:s8+$0x23A0];
	_ =	sdelay $0x3  }
0x12f: {  	s6 =	simm.s32 $0xB040;
	s7 =	simm.s32 $0x40  }
.LBB2_36:
0x130: {  	s8 =	sshra.s32 s7, $0x2;
	p0 =	sne.s32 s7, $0x3E40;
	s7 =	sadd.s32 $0x40, s7;
	[tilespmem:s6+$0x0] =	vst v0  }
.Ltmp17:
0x131: {  	v0 =	vld [tilespmem:s8+$0x23A0];
	(pc) =	sbr.rel @p0 .LBB2_36-.Ltmp17, $2  }
0x132: {  	_ =	sdelay $0x2  }
0x133: {  	s6 =	sadd.s32 $0x80, s6  }
0x134: {  	[tilespmem:s6+$0x0] =	vst v0;
	s7 =	simm.s32 $0x0  }
0x135: {  	[hbm4b:s22+s7] =	stream.linear.scatter [tilespmem:s4], [sflag:$0x2], $0x7D00, $0x38;
	[tilespmem:$0x12D40] =	vst v63  }
0x136: {  	_ =	swait.ge [sflag:s30], $0xFA0  }
0x137: {  	[sflag:s30] =	ssyncset.done $0x0  }
0x138: {  	[sflag:s30] =	ssyncadd.s32 $0xFFFFF060  }
0x139: {  	_ =	swait.ge [sflag:s31], $0x7D00  }
0x13a: {  	[sflag:s31] =	ssyncset.done $0x0  }
0x13b: {  	s8 =	simm.s32 $0x1300;
	[sflag:s31] =	ssyncadd.s32 $0xFFFF8300  }
0x13c: {  	[tilespmem:s1], [sflag:$0x1] =	stream.indirect.gather [hbm4b:s3+s28], $0x10, s8, s28, $0xb8;
	[tilespmem:$0x12D40] =	vst v63  }
0x13d: {  	s8 =	simm.s32 $0x0  }
0x13e: {  	v0 =	vld [tilespmem:s8+$0x1400];
	_ =	sdelay $0x3  }
0x13f: {  	s6 =	simm.s32 $0x3340;
	s7 =	simm.s32 $0x40  }
.LBB2_38:
0x140: {  	s8 =	sshra.s32 s7, $0x2;
	p0 =	sne.s32 s7, $0x3E40;
	s7 =	sadd.s32 $0x40, s7;
	[tilespmem:s6+$0x0] =	vst v0  }
.Ltmp18:
0x141: {  	v0 =	vld [tilespmem:s8+$0x1400];
	(pc) =	sbr.rel @p0 .LBB2_38-.Ltmp18, $2  }
0x142: {  	_ =	sdelay $0x2  }
0x143: {  	s6 =	sadd.s32 $0x80, s6  }
0x144: {  	[tilespmem:s6+$0x0] =	vst v0;
	s8 =	simm.s32 $0x0  }
0x145: {  	[hbm4b:s23+s8] =	stream.linear.scatter [tilespmem:s0], [sflag:$0x2], $0x7D00, $0x38;
	[tilespmem:$0x12D40] =	vst v63  }
0x146: {  	_ =	swait.ge [sflag:s30], $0xFA0  }
0x147: {  	[sflag:s30] =	ssyncset.done $0x0  }
0x148: {  	[sflag:s30] =	ssyncadd.s32 $0xFFFFF060  }
0x149: {  	_ =	swait.ge [sflag:s31], $0x7D00  }
0x14a: {  	[sflag:s31] =	ssyncset.done $0x0  }
0x14b: {  	s8 =	simm.s32 $0x0;
	[sflag:s31] =	ssyncadd.s32 $0xFFFF8300  }
0x14c: {  	v0 =	vld [tilespmem:s8+$0x23A0];
	_ =	sdelay $0x3  }
0x14d: {  	s6 =	simm.s32 $0xB040;
	s7 =	simm.s32 $0x40  }
.LBB2_40:
0x14e: {  	s8 =	sshra.s32 s7, $0x2;
	p0 =	sne.s32 s7, $0x3E40;
	s7 =	sadd.s32 $0x40, s7;
	[tilespmem:s6+$0x0] =	vst v0  }
.Ltmp19:
0x14f: {  	v0 =	vld [tilespmem:s8+$0x23A0];
	(pc) =	sbr.rel @p0 .LBB2_40-.Ltmp19, $2  }
0x150: {  	_ =	sdelay $0x2  }
0x151: {  	s6 =	sadd.s32 $0x80, s6  }
0x152: {  	s5 =	sadd.s32 $0x1, s5  }
0x153: {  	p0 =	sne.s32 s5, s25  }
.Ltmp20:
0x154: {  	[tilespmem:s6+$0x0] =	vst v0;
	(pc) =	sbr.rel @p0 .LBB2_1-.Ltmp20, $4  }
0x155: {  	[hbm4b:s24+s2] =	stream.linear.scatter [tilespmem:s4], [sflag:$0x2], $0x7D00, $0x38;
	[tilespmem:$0x12D40] =	vst v63  }
0x156: {  	_ =	swait.ge [sflag:s31], $0x7D00  }
0x157: {  	[sflag:s31] =	ssyncset.done $0x0  }
0x158: {  	[sflag:s31] =	ssyncadd.s32 $0xFFFF8300  }
0x159: {  	_ =	sfence.sel $0x180000  }
0x15a: {  	[bflag:$0x0] =	sbarrier.arrive $0xFFFF  }
0x15b: {  	_ =	strace $0x90000047  }
0x15c: {  	s0 =	stileid.u32;
	[bflag:$0x2] =	sbarrier.arrive $0xFFFF  }
0x15d: {  	p0 =	sne.s32 s0, $0x0;
	s0 =	rddreg [dreg:$0x2]  }
0x15e: {  	s0 =	sadd.s32 @!p0 $0x100000, s0  }
0x15f: {  	[sflag:s0] =	ssyncadd.tile.s32 @!p0 $0x1;
	_ =	shalt  }
.Lfunc_end2:
_tile_overlayer_lowered:
.L_overlay_start_2:
0x160: {  	(tag) =	ssettag $0x2  }
0x161: {  	s0 =	rddreg [dreg:$0x0];
	s2 =	stileid.u32  }
0x162: {  	s1 =	rddreg [dreg:$0x1];
	p0 =	sne.s32 s2, $0x0  }
0x163: {  	s3 =	rddreg [dreg:$0x2];
	[bflag:$0x3] =	sbarrier.arrive $0xFFFF;
	s2 =	simm.s32 @!p0 $0x1C03  }
0x164: {  	[timem:s3], [sflag:s2] =	dma.local @!p0 [hbm:s0], s1  }
0x165: {  	s0 =	simm.s32 @!p0 $0x3  }
0x166: {  	_ =	swait.ge @!p0 [sflag:s0], s1  }
0x167: {  	s1 =	ssub.s32 @!p0 $0x0, s1;
	[sflag:s0] =	ssyncset.done @!p0 $0x0  }
0x168: {  	[sflag:s0] =	ssyncadd.s32 @!p0 s1  }
0x169: {  	[bflag:$0x3] =	sbarrier.arrive $0xFFFF  }
0x16a: {  	_ =	shalt  }

</sc_bundles>
